<compile_context>
chip_gen: v7x
topology: tpu7x:2x2x1
jax: 0.10.2.dev20260603
libtpu: 0.0.44.dev20260713+nightly
codegen_flags: <defaults>
</compile_context>

<pallas_src>
import functools

import jax
import jax.numpy as jnp
from jax import lax
from jax.experimental import pallas as pl
from jax.experimental.pallas import tpu as pltpu
from jax.experimental.pallas import tpu_sc as plsc

DIM = 768
K = 128
M = 20000
HID = 150
DEMB = 20
CPROP = 2

IBLK = 32
NBLK = K // IBLK

NWORK = 32
_PREC = lax.Precision.DEFAULT


def _coref_body(u_ref, sb_ref, se_ref, tril_ref, ssc_ref, ssr_ref,
                idxc_ref, idxr_ref, idxn_ref,
                wl_ref, wr_ref, wp_ref, dtp_ref, wd_ref, woc_ref, ball_ref,
                bout_ref, wg_ref, bg_ref,
                upd_out, sc_out, sval_out,
                u16_scr, l16_scr, r16_scr, scc_scr, bk_scr, dt16_scr, wp16_scr):
    f32 = jnp.float32
    bf16 = jnp.bfloat16

    d = jnp.maximum(sb_ref[...] - se_ref[...], 0)
    blog = (5 + (d >= 8).astype(jnp.int32) + (d >= 16).astype(jnp.int32)
            + (d >= 32).astype(jnp.int32) + (d >= 64).astype(jnp.int32))
    bk_scr[...] = jnp.where(d <= 4, d, blog)

    dw = jnp.dot(dtp_ref[...], wd_ref[...], precision=_PREC)
    row = lax.broadcasted_iota(jnp.int32, (16, HID), 0)
    dw = jnp.where(row == 15, ball_ref[...], dw).astype(bf16)
    wp16_scr[...] = wp_ref[...].astype(bf16)
    wo16 = woc_ref[...].astype(bf16)
    is15 = lax.broadcasted_iota(jnp.int32, (1, 1, 16), 2) == 15

    def dtblk(b, carry):
        r0 = pl.multiple_of(b * IBLK, IBLK)
        bkt = bk_scr[pl.ds(r0, IBLK), :]
        oh = jnp.logical_or(
            bkt[:, :, None] == lax.broadcasted_iota(jnp.int32, (1, 1, 16), 2),
            is15).astype(bf16)
        dt = jnp.dot(oh.reshape(IBLK * K, 16), dw,
                     preferred_element_type=f32)
        dt16_scr[pl.ds(r0 * K, IBLK * K), :] = dt.astype(bf16)
        return carry

    lax.fori_loop(0, NBLK, dtblk, 0)

    def pair_scores(u):
        u16 = u.astype(bf16)
        u16_scr[...] = u16
        l16_scr[...] = jnp.dot(u, wl_ref[...], precision=_PREC).astype(bf16)
        r16_scr[...] = jnp.dot(u, wr_ref[...], precision=_PREC).astype(bf16)

        def blk(b, carry):
            r0 = pl.multiple_of(b * IBLK, IBLK)
            ub16 = u16_scr[pl.ds(r0, IBLK), :]
            pairs = (ub16[:, None, :] * u16[None, :, :]).reshape(IBLK * K, DIM)
            prod = jnp.dot(pairs, wp16_scr[...],
                           preferred_element_type=f32)
            h = (prod.astype(bf16) + dt16_scr[pl.ds(r0 * K, IBLK * K), :])
            h = (h.reshape(IBLK, K, HID) + l16_scr[pl.ds(r0, IBLK), :][:, None, :]
                 + r16_scr[...][None, :, :])
            h = jnp.maximum(h, jnp.array(0.0, bf16))
            scc_scr[pl.ds(r0, IBLK), :] = jnp.sum(
                (h * wo16[None, :, :]).astype(f32), axis=-1)
            return carry

        lax.fori_loop(0, NBLK, blk, 0)
        return scc_scr[...] + bout_ref[...]

    u0 = u_ref[...]
    scores = pair_scores(u0)
    scores = scores + ssc_ref[...] + ssr_ref[...]
    ii = lax.broadcasted_iota(jnp.int32, (K, K), 0)
    jj = lax.broadcasted_iota(jnp.int32, (K, K), 1)
    scores = jnp.where(ii == jj, 0.0, scores)

    neg = (1.0 - tril_ref[...]) * 1e23

    def round_body(t, uv_scores):
        u, scores = uv_scores
        s2 = scores - neg
        s2 = s2 - jnp.max(s2, axis=-1, keepdims=True)
        e = jnp.exp(s2)
        probs = e / jnp.sum(e, axis=-1, keepdims=True)
        ctxt = jnp.dot(probs, u, precision=_PREC)
        g = jax.nn.sigmoid(jnp.dot(u, wg_ref[pl.ds(0, DIM), :], precision=_PREC)
                           + jnp.dot(ctxt, wg_ref[pl.ds(DIM, DIM), :], precision=_PREC)
                           + bg_ref[...])
        u = g * u + (1.0 - g) * ctxt
        return (u, pair_scores(u))

    u, scores = lax.fori_loop(0, CPROP, round_body, (u0, scores))

    upd_out[...] = u
    sc_out[...] = scores
    sel = ((idxc_ref[...] == idxr_ref[...]) & (idxr_ref[...] != idxn_ref[...])).astype(f32)
    sval_out[...] = jnp.dot(sel, u, precision=_PREC)


CH = 64
NFULL = M // CH
CPW = -(-NFULL // NWORK)


def _sc_copy_body(cand_hbm, out_ref, bufa, bufb, sia, sib, soa, sob):
    wid = lax.axis_index("s") * 2 + lax.axis_index("c")
    bufs = (bufa, bufb)
    sin = (sia, sib)
    sout = (soa, sob)

    def cid_of(c):
        return wid + NWORK * c

    def in_d(c):
        p = c & 1
        return pltpu.make_async_copy(
            cand_hbm.at[pl.ds(cid_of(c) * CH, CH)], bufs[p], sin[p])

    def out_d(c):
        p = c & 1
        return pltpu.make_async_copy(
            bufs[p], out_ref.at[pl.ds(cid_of(c) * CH, CH)], sout[p])

    @pl.when(cid_of(0) < NFULL)
    def _():
        in_d(0).start()

    for c in range(CPW):
        if c + 1 < CPW:
            @pl.when(cid_of(c + 1) < NFULL)
            def _(c=c):
                if c >= 1:
                    out_d(c - 1).wait()
                in_d(c + 1).start()

        @pl.when(cid_of(c) < NFULL)
        def _(c=c):
            in_d(c).wait()
            out_d(c).start()

    for c in range(CPW):
        @pl.when(jnp.logical_and(cid_of(c) < NFULL,
                                 cid_of(c) + 2 * NWORK >= NFULL))
        def _(c=c):
            out_d(c).wait()

    @pl.when(wid == NFULL % NWORK)
    def _():
        tstart = NFULL * CH
        tsize = M - NFULL * CH
        pltpu.sync_copy(cand_hbm.at[pl.ds(tstart, tsize)],
                        bufa.at[pl.ds(0, tsize)])
        pltpu.sync_copy(bufa.at[pl.ds(0, tsize)],
                        out_ref.at[pl.ds(tstart, tsize)])


def _sc_over_body(svals_hbm, idx_hbm, len_hbm, out_ref, blk_v, idx_v, len_v, sv_v):
    wid = lax.axis_index("s") * 2 + lax.axis_index("c")
    sid = lax.axis_index("s")

    @pl.when(sid == 0)
    def _():
        pltpu.sync_copy(svals_hbm, sv_v)

    pltpu.sync_copy(idx_hbm, idx_v.at[pl.ds(0, K)])
    pltpu.sync_copy(len_hbm, len_v)
    nvalid = len_v[...][0]
    plsc.subcore_barrier()

    def kbody(k, carry):
        ik = idx_v[pl.ds(k, 16)][0]
        owned = jnp.logical_and((ik >> 3) & (NWORK - 1) == wid, k < nvalid)

        @pl.when(owned)
        def _():
            b0 = pl.multiple_of((ik >> 3) << 3, 8)
            pltpu.sync_copy(out_ref.at[pl.ds(b0, 8)], blk_v)
            pltpu.sync_copy(sv_v.at[pl.ds(k, 1)], blk_v.at[pl.ds(ik - b0, 1)])
            pltpu.sync_copy(blk_v, out_ref.at[pl.ds(b0, 8)])

        return carry

    lax.fori_loop(0, K, kbody, 0)


def kernel(cand_span_vecs, span_vecs, span_begin, span_end, triangular_mask,
           span_scores, prune_indices_hoi, span_lengths, W_left, b_left,
           W_right, b_right, W_prod, b_prod, dist_table, W_dist, b_dist,
           W_out, b_out, W_gate, b_gate):
    f32 = jnp.float32
    u0 = span_vecs[0]
    sb = span_begin.reshape(K, 1)
    se = span_end.reshape(1, K)
    tril = triangular_mask[0]
    ssc = span_scores.reshape(K, 1)
    ssr = span_scores.reshape(1, K)
    idx = prune_indices_hoi[0]
    idxc = idx.reshape(K, 1)
    idxr = idx.reshape(1, K)
    idxn = jnp.concatenate([idx[1:], jnp.full((1,), -1, idx.dtype)]).reshape(1, K)
    dtp = jnp.concatenate([dist_table, jnp.zeros((16 - dist_table.shape[0], DEMB), f32)], axis=0)
    ball = (b_left + b_right + b_prod + b_dist).reshape(1, HID)
    wo = W_out.reshape(1, HID)
    bout = b_out.reshape(1, 1)
    bg = b_gate.reshape(1, DIM)

    mesh = plsc.VectorSubcoreMesh(core_axis_name="c", subcore_axis_name="s",
                                  num_cores=2, num_subcores=16)
    copyk = functools.partial(
        pl.kernel,
        out_type=jax.ShapeDtypeStruct((M, DIM), f32),
        mesh=mesh,
        scratch_types=[
            pltpu.VMEM((CH, DIM), f32),
            pltpu.VMEM((CH, DIM), f32),
            pltpu.SemaphoreType.DMA,
            pltpu.SemaphoreType.DMA,
            pltpu.SemaphoreType.DMA,
            pltpu.SemaphoreType.DMA,
        ],
    )(_sc_copy_body)
    overk = functools.partial(
        pl.kernel,
        mesh=mesh,
        scratch_types=[
            pltpu.VMEM((8, DIM), f32),
            pltpu.VMEM((K + 16,), jnp.int32),
            pltpu.VMEM((16,), jnp.int32),
            pltpu.VMEM_SHARED((K, DIM), f32),
        ],
    )(_sc_over_body)

    buf = jax.new_ref(copyk(cand_span_vecs[0]))

    upd, scores, svals = pl.pallas_call(
        _coref_body,
        out_shape=(
            jax.ShapeDtypeStruct((K, DIM), f32),
            jax.ShapeDtypeStruct((K, K), f32),
            jax.ShapeDtypeStruct((K, DIM), f32),
        ),
        scratch_shapes=[
            pltpu.VMEM((K, DIM), jnp.bfloat16),
            pltpu.VMEM((K, HID), jnp.bfloat16),
            pltpu.VMEM((K, HID), jnp.bfloat16),
            pltpu.VMEM((K, K), f32),
            pltpu.VMEM((K, K), jnp.int32),
            pltpu.VMEM((K * K, HID), jnp.bfloat16),
            pltpu.VMEM((DIM, HID), jnp.bfloat16),
        ],
    )(u0, sb, se, tril, ssc, ssr, idxc, idxr, idxn,
      W_left, W_right, W_prod, dtp, W_dist, wo, ball, bout, W_gate, bg)

    lens = jnp.broadcast_to(span_lengths.astype(jnp.int32), (16,))
    overk(svals, idx, lens, buf)
    new_cand = buf[...]

    return (new_cand[None], upd[None], scores[None])

# --- scband reference (transcript-rebuilt; emitter-appended) ---
"""Pipeline reference for scband-module-coref-prop-hoi-24790551232689 (READ-ONLY COPY).

The authoritative reference and input builder live on the scoring server;
editing this copy changes nothing except your own understanding.
"""

import jax, jax.numpy as jnp
import numpy as np

DIM = 768
K = 128
M = 20000
HID = 150
NBUCK = 10
DEMB = 20
NTOK = 2000
CPROP = 2


def setup_inputs(seed: int = 0):
    key = jax.random.key(seed)
    ks = jax.random.split(key, 24)
    s = 0.02
    inp = {}
    inp["cand_span_vecs"] = jax.random.normal(ks[0], (1, M, DIM), jnp.float32)
    inp["span_vecs"] = jax.random.normal(ks[1], (1, K, DIM), jnp.float32)
    begin = jnp.sort(jax.random.randint(ks[2], (1, K), 0, NTOK - 10), axis=-1)
    inp["span_begin"] = begin
    inp["span_end"] = begin + jax.random.randint(ks[3], (1, K), 0, 10)
    inp["triangular_mask"] = jnp.tril(jnp.ones((K, K), jnp.float32))[None, :, :]
    inp["span_scores"] = jax.random.normal(ks[4], (1, K, 1), jnp.float32)
    inp["prune_indices_hoi"] = jnp.sort(jax.random.randint(ks[5], (1, K), 0, M), axis=-1)
    inp["span_lengths"] = jnp.array([K], jnp.int32)
    inp["W_left"] = jax.random.normal(ks[6], (DIM, HID), jnp.float32) * s
    inp["b_left"] = jnp.zeros((HID,), jnp.float32)
    inp["W_right"] = jax.random.normal(ks[7], (DIM, HID), jnp.float32) * s
    inp["b_right"] = jnp.zeros((HID,), jnp.float32)
    inp["W_prod"] = jax.random.normal(ks[8], (DIM, HID), jnp.float32) * s
    inp["b_prod"] = jnp.zeros((HID,), jnp.float32)
    inp["dist_table"] = jax.random.normal(ks[9], (NBUCK, DEMB), jnp.float32) * s
    inp["W_dist"] = jax.random.normal(ks[10], (DEMB, HID), jnp.float32) * s
    inp["b_dist"] = jnp.zeros((HID,), jnp.float32)
    inp["W_out"] = jax.random.normal(ks[11], (HID, 1), jnp.float32) * s
    inp["b_out"] = jnp.zeros((1,), jnp.float32)
    inp["W_gate"] = jax.random.normal(ks[12], (2 * DIM, DIM), jnp.float32) * s
    inp["b_gate"] = jnp.zeros((DIM,), jnp.float32)
    return inp


def _bucket_distance(d):
    d = jnp.clip(d, 0, None)
    logd = jnp.floor(jnp.log(jnp.maximum(d, 1).astype(jnp.float32)) / jnp.log(2.0)).astype(d.dtype) + 3
    b = jnp.where(d <= 4, d, logd)
    return jnp.clip(b, 0, NBUCK - 1)


def _ff_pairs(u, span_begin, span_end, p):
    # OptFFpairs: left/right unary terms + elementwise-product pair term + distance-bucket embedding term
    left = u @ p["W_left"] + p["b_left"]
    right = u @ p["W_right"] + p["b_right"]
    prod = (u[:, :, None, :] * u[:, None, :, :]) @ p["W_prod"] + p["b_prod"]
    dist = span_begin[:, :, None] - span_end[:, None, :]
    demb = p["dist_table"][_bucket_distance(dist)]
    h = jax.nn.relu(left[:, :, None, :] + right[:, None, :, :] + prod + demb @ p["W_dist"] + p["b_dist"])
    return h @ p["W_out"] + p["b_out"]


def _coref_add_scores(coref_scores, prune_scores):
    scores = coref_scores + prune_scores + jnp.swapaxes(prune_scores, 1, 2)
    eye = jnp.eye(scores.shape[1], dtype=scores.dtype)[None, :, :]
    return scores * (1.0 - eye)


def reference(cand_span_vecs, span_vecs, span_begin, span_end, triangular_mask, span_scores, prune_indices_hoi, span_lengths, W_left, b_left, W_right, b_right, W_prod, b_prod, dist_table, W_dist, b_dist, W_out, b_out, W_gate, b_gate):
    params = {"W_left": W_left, "b_left": b_left, "W_right": W_right, "b_right": b_right, "W_prod": W_prod, "b_prod": b_prod, "dist_table": dist_table, "W_dist": W_dist, "b_dist": b_dist, "W_out": W_out, "b_out": b_out}
    update = span_vecs
    coref_scores = jnp.squeeze(_ff_pairs(update, span_begin, span_end, params), -1)
    coref_scores = _coref_add_scores(coref_scores, span_scores)
    for _ in range(CPROP):
        probs = jax.nn.softmax(coref_scores - (1.0 - triangular_mask) * 1e23, axis=-1)
        ctxt = jnp.matmul(probs, update)
        g = jax.nn.sigmoid(jnp.concatenate([update, ctxt], axis=-1) @ W_gate + b_gate)
        update = g * update + (1.0 - g) * ctxt
        # update_coref_scores=True; coref_pruner is None so no extra add
        coref_scores = jnp.squeeze(_ff_pairs(update, span_begin, span_end, params), -1)
    # overwrite_spans_hoi: scatter-overwrite the updated pruned span vectors back into all candidate spans
    idx = prune_indices_hoi[0]
    valid = (jnp.arange(idx.shape[0]) < span_lengths[0])[:, None]
    vals = jnp.where(valid, update[0], cand_span_vecs[0, idx])
    new_cand = cand_span_vecs.at[0, idx].set(vals)
    return (new_cand, update, coref_scores)

if __name__ == "__main__":
    import jax
    _d = setup_inputs()
    print(jax.jit(kernel)(*tuple(_d.values())))

</pallas_src>

<mosaic_0001>
#map = affine_map<(d0, d1) -> (0, 0)>
module attributes {stable_mosaic.version = 14 : i64} {
  func.func @_sc_copy_body(%arg0: i32, %arg1: i32, %arg2: memref<20000x768xf32, #tpu.memory_space<hbm>>, %arg3: memref<20000x768xf32, #tpu.memory_space<hbm>>, %arg4: memref<64x768xf32, #tpu.memory_space<vmem>>, %arg5: memref<64x768xf32, #tpu.memory_space<vmem>>, %arg6: memref<!tpu.dma_semaphore, #tpu.memory_space<semaphore_mem>>, %arg7: memref<!tpu.dma_semaphore, #tpu.memory_space<semaphore_mem>>, %arg8: memref<!tpu.dma_semaphore, #tpu.memory_space<semaphore_mem>>, %arg9: memref<!tpu.dma_semaphore, #tpu.memory_space<semaphore_mem>>) attributes {dimension_semantics = [#tpu.dimension_semantics<core_parallel>, #tpu.dimension_semantics<subcore_parallel>], iteration_bounds = array<i64: 2, 16>, scalar_prefetch = 0 : i64, scratch_operands = 6 : i64, tpu.core_type = #tpu.core_type<sc_vector_subcore>, window_params = [{transform_indices = #map}, {transform_indices = #map}]} {
    %mul3A = arith.constant 2 : i32
    %mul3A_0 = arith.muli %arg1, %mul3A : i32
    %add3A = arith.addi %mul3A_0, %arg0 : i32
    %add3A_1 = arith.constant 0 : i32
    %add3A_2 = arith.addi %add3A, %add3A_1 : i32
    %lt3A = arith.constant 312 : i32
    %lt3A_3 = arith.cmpi slt, %add3A_2, %lt3A : i32
    %convert_element_type3A = arith.extui %lt3A_3 : i1 to i32
    %cond3A = arith.constant 0 : i32
    %cond3A_4 = arith.cmpi ne, %convert_element_type3A, %cond3A : i32
    scf.if %cond3A_4 {
      %add3A_280 = arith.constant 0 : i32
      %add3A_281 = arith.addi %add3A, %add3A_280 : i32
      %mul3A_282 = arith.constant 64 : i32
      %mul3A_283 = arith.muli %add3A_281, %mul3A_282 : i32
      %dma_start3A = arith.constant 0 : i32
      %dma_start3A_284 = tpu.memref_slice %arg2[%mul3A_283, %dma_start3A] : memref<20000x768xf32, #tpu.memory_space<hbm>> -> memref<64x768xf32, #tpu.memory_space<hbm>>
      %dma_start3A_285 = arith.constant 0 : i32
      %dma_start3A_286 = tpu.memref_slice %arg2[%mul3A_283, %dma_start3A_285] : memref<20000x768xf32, #tpu.memory_space<hbm>> -> memref<64x768xf32, #tpu.memory_space<hbm>>
      tpu.enqueue_dma source(%dma_start3A_286 : memref<64x768xf32, #tpu.memory_space<hbm>>) target(%arg4 : memref<64x768xf32, #tpu.memory_space<vmem>>) target_semaphore(%arg6 : memref<!tpu.dma_semaphore, #tpu.memory_space<semaphore_mem>>)
    } else {
    }
    %add3A_5 = arith.constant 32 : i32
    %add3A_6 = arith.addi %add3A, %add3A_5 : i32
    %lt3A_7 = arith.constant 312 : i32
    %lt3A_8 = arith.cmpi slt, %add3A_6, %lt3A_7 : i32
    %convert_element_type3A_9 = arith.extui %lt3A_8 : i1 to i32
    %cond3A_10 = arith.constant 0 : i32
    %cond3A_11 = arith.cmpi ne, %convert_element_type3A_9, %cond3A_10 : i32
    scf.if %cond3A_11 {
      %add3A_280 = arith.constant 32 : i32
      %add3A_281 = arith.addi %add3A, %add3A_280 : i32
      %mul3A_282 = arith.constant 64 : i32
      %mul3A_283 = arith.muli %add3A_281, %mul3A_282 : i32
      %dma_start3A = arith.constant 0 : i32
      %dma_start3A_284 = tpu.memref_slice %arg2[%mul3A_283, %dma_start3A] : memref<20000x768xf32, #tpu.memory_space<hbm>> -> memref<64x768xf32, #tpu.memory_space<hbm>>
      %dma_start3A_285 = arith.constant 0 : i32
      %dma_start3A_286 = tpu.memref_slice %arg2[%mul3A_283, %dma_start3A_285] : memref<20000x768xf32, #tpu.memory_space<hbm>> -> memref<64x768xf32, #tpu.memory_space<hbm>>
      tpu.enqueue_dma source(%dma_start3A_286 : memref<64x768xf32, #tpu.memory_space<hbm>>) target(%arg5 : memref<64x768xf32, #tpu.memory_space<vmem>>) target_semaphore(%arg7 : memref<!tpu.dma_semaphore, #tpu.memory_space<semaphore_mem>>)
    } else {
    }
    %add3A_12 = arith.constant 0 : i32
    %add3A_13 = arith.addi %add3A, %add3A_12 : i32
    %lt3A_14 = arith.constant 312 : i32
    %lt3A_15 = arith.cmpi slt, %add3A_13, %lt3A_14 : i32
    %convert_element_type3A_16 = arith.extui %lt3A_15 : i1 to i32
    %cond3A_17 = arith.constant 0 : i32
    %cond3A_18 = arith.cmpi ne, %convert_element_type3A_16, %cond3A_17 : i32
    scf.if %cond3A_18 {
      %add3A_280 = arith.constant 0 : i32
      %add3A_281 = arith.addi %add3A, %add3A_280 : i32
      %mul3A_282 = arith.constant 64 : i32
      %mul3A_283 = arith.muli %add3A_281, %mul3A_282 : i32
      %dma_wait3A = arith.constant 0 : i32
      %dma_wait3A_284 = tpu.memref_slice %arg2[%mul3A_283, %dma_wait3A] : memref<20000x768xf32, #tpu.memory_space<hbm>> -> memref<64x768xf32, #tpu.memory_space<hbm>>
      %dma_wait3A_285 = arith.constant 0 : i32
      %dma_wait3A_286 = tpu.memref_slice %arg2[%mul3A_283, %dma_wait3A_285] : memref<20000x768xf32, #tpu.memory_space<hbm>> -> memref<64x768xf32, #tpu.memory_space<hbm>>
      tpu.wait_dma2 semaphore(%arg6 : memref<!tpu.dma_semaphore, #tpu.memory_space<semaphore_mem>>) src(%dma_wait3A_286 : memref<64x768xf32, #tpu.memory_space<hbm>>) dst(%arg4 : memref<64x768xf32, #tpu.memory_space<vmem>>)
      %add3A_287 = arith.constant 0 : i32
      %add3A_288 = arith.addi %add3A, %add3A_287 : i32
      %mul3A_289 = arith.constant 64 : i32
      %mul3A_290 = arith.muli %add3A_288, %mul3A_289 : i32
      %dma_start3A = arith.constant 0 : i32
      %dma_start3A_291 = tpu.memref_slice %arg3[%mul3A_290, %dma_start3A] : memref<20000x768xf32, #tpu.memory_space<hbm>> -> memref<64x768xf32, #tpu.memory_space<hbm>>
      %dma_start3A_292 = arith.constant 0 : i32
      %dma_start3A_293 = tpu.memref_slice %arg3[%mul3A_290, %dma_start3A_292] : memref<20000x768xf32, #tpu.memory_space<hbm>> -> memref<64x768xf32, #tpu.memory_space<hbm>>
      tpu.enqueue_dma source(%arg4 : memref<64x768xf32, #tpu.memory_space<vmem>>) target(%dma_start3A_293 : memref<64x768xf32, #tpu.memory_space<hbm>>) target_semaphore(%arg8 : memref<!tpu.dma_semaphore, #tpu.memory_space<semaphore_mem>>)
    } else {
    }
    %add3A_19 = arith.constant 64 : i32
    %add3A_20 = arith.addi %add3A, %add3A_19 : i32
    %lt3A_21 = arith.constant 312 : i32
    %lt3A_22 = arith.cmpi slt, %add3A_20, %lt3A_21 : i32
    %convert_element_type3A_23 = arith.extui %lt3A_22 : i1 to i32
    %cond3A_24 = arith.constant 0 : i32
    %cond3A_25 = arith.cmpi ne, %convert_element_type3A_23, %cond3A_24 : i32
    scf.if %cond3A_25 {
      %add3A_280 = arith.constant 0 : i32
      %add3A_281 = arith.addi %add3A, %add3A_280 : i32
      %mul3A_282 = arith.constant 64 : i32
      %mul3A_283 = arith.muli %add3A_281, %mul3A_282 : i32
      %dma_wait3A = arith.constant 0 : i32
      %dma_wait3A_284 = tpu.memref_slice %arg3[%mul3A_283, %dma_wait3A] : memref<20000x768xf32, #tpu.memory_space<hbm>> -> memref<64x768xf32, #tpu.memory_space<hbm>>
      %dma_wait3A_285 = arith.constant 0 : i32
      %dma_wait3A_286 = tpu.memref_slice %arg3[%mul3A_283, %dma_wait3A_285] : memref<20000x768xf32, #tpu.memory_space<hbm>> -> memref<64x768xf32, #tpu.memory_space<hbm>>
      tpu.wait_dma2 semaphore(%arg8 : memref<!tpu.dma_semaphore, #tpu.memory_space<semaphore_mem>>) src(%arg4 : memref<64x768xf32, #tpu.memory_space<vmem>>) dst(%dma_wait3A_286 : memref<64x768xf32, #tpu.memory_space<hbm>>)
      %add3A_287 = arith.constant 64 : i32
      %add3A_288 = arith.addi %add3A, %add3A_287 : i32
      %mul3A_289 = arith.constant 64 : i32
      %mul3A_290 = arith.muli %add3A_288, %mul3A_289 : i32
      %dma_start3A = arith.constant 0 : i32
      %dma_start3A_291 = tpu.memref_slice %arg2[%mul3A_290, %dma_start3A] : memref<20000x768xf32, #tpu.memory_space<hbm>> -> memref<64x768xf32, #tpu.memory_space<hbm>>
      %dma_start3A_292 = arith.constant 0 : i32
      %dma_start3A_293 = tpu.memref_slice %arg2[%mul3A_290, %dma_start3A_292] : memref<20000x768xf32, #tpu.memory_space<hbm>> -> memref<64x768xf32, #tpu.memory_space<hbm>>
      tpu.enqueue_dma source(%dma_start3A_293 : memref<64x768xf32, #tpu.memory_space<hbm>>) target(%arg4 : memref<64x768xf32, #tpu.memory_space<vmem>>) target_semaphore(%arg6 : memref<!tpu.dma_semaphore, #tpu.memory_space<semaphore_mem>>)
    } else {
    }
    %add3A_26 = arith.constant 32 : i32
    %add3A_27 = arith.addi %add3A, %add3A_26 : i32
    %lt3A_28 = arith.constant 312 : i32
    %lt3A_29 = arith.cmpi slt, %add3A_27, %lt3A_28 : i32
    %convert_element_type3A_30 = arith.extui %lt3A_29 : i1 to i32
    %cond3A_31 = arith.constant 0 : i32
    %cond3A_32 = arith.cmpi ne, %convert_element_type3A_30, %cond3A_31 : i32
    scf.if %cond3A_32 {
      %add3A_280 = arith.constant 32 : i32
      %add3A_281 = arith.addi %add3A, %add3A_280 : i32
      %mul3A_282 = arith.constant 64 : i32
      %mul3A_283 = arith.muli %add3A_281, %mul3A_282 : i32
      %dma_wait3A = arith.constant 0 : i32
      %dma_wait3A_284 = tpu.memref_slice %arg2[%mul3A_283, %dma_wait3A] : memref<20000x768xf32, #tpu.memory_space<hbm>> -> memref<64x768xf32, #tpu.memory_space<hbm>>
      %dma_wait3A_285 = arith.constant 0 : i32
      %dma_wait3A_286 = tpu.memref_slice %arg2[%mul3A_283, %dma_wait3A_285] : memref<20000x768xf32, #tpu.memory_space<hbm>> -> memref<64x768xf32, #tpu.memory_space<hbm>>
      tpu.wait_dma2 semaphore(%arg7 : memref<!tpu.dma_semaphore, #tpu.memory_space<semaphore_mem>>) src(%dma_wait3A_286 : memref<64x768xf32, #tpu.memory_space<hbm>>) dst(%arg5 : memref<64x768xf32, #tpu.memory_space<vmem>>)
      %add3A_287 = arith.constant 32 : i32
      %add3A_288 = arith.addi %add3A, %add3A_287 : i32
      %mul3A_289 = arith.constant 64 : i32
      %mul3A_290 = arith.muli %add3A_288, %mul3A_289 : i32
      %dma_start3A = arith.constant 0 : i32
      %dma_start3A_291 = tpu.memref_slice %arg3[%mul3A_290, %dma_start3A] : memref<20000x768xf32, #tpu.memory_space<hbm>> -> memref<64x768xf32, #tpu.memory_space<hbm>>
      %dma_start3A_292 = arith.constant 0 : i32
      %dma_start3A_293 = tpu.memref_slice %arg3[%mul3A_290, %dma_start3A_292] : memref<20000x768xf32, #tpu.memory_space<hbm>> -> memref<64x768xf32, #tpu.memory_space<hbm>>
      tpu.enqueue_dma source(%arg5 : memref<64x768xf32, #tpu.memory_space<vmem>>) target(%dma_start3A_293 : memref<64x768xf32, #tpu.memory_space<hbm>>) target_semaphore(%arg9 : memref<!tpu.dma_semaphore, #tpu.memory_space<semaphore_mem>>)
    } else {
    }
    %add3A_33 = arith.constant 96 : i32
    %add3A_34 = arith.addi %add3A, %add3A_33 : i32
    %lt3A_35 = arith.constant 312 : i32
    %lt3A_36 = arith.cmpi slt, %add3A_34, %lt3A_35 : i32
    %convert_element_type3A_37 = arith.extui %lt3A_36 : i1 to i32
    %cond3A_38 = arith.constant 0 : i32
    %cond3A_39 = arith.cmpi ne, %convert_element_type3A_37, %cond3A_38 : i32
    scf.if %cond3A_39 {
      %add3A_280 = arith.constant 32 : i32
      %add3A_281 = arith.addi %add3A, %add3A_280 : i32
      %mul3A_282 = arith.constant 64 : i32
      %mul3A_283 = arith.muli %add3A_281, %mul3A_282 : i32
      %dma_wait3A = arith.constant 0 : i32
      %dma_wait3A_284 = tpu.memref_slice %arg3[%mul3A_283, %dma_wait3A] : memref<20000x768xf32, #tpu.memory_space<hbm>> -> memref<64x768xf32, #tpu.memory_space<hbm>>
      %dma_wait3A_285 = arith.constant 0 : i32
      %dma_wait3A_286 = tpu.memref_slice %arg3[%mul3A_283, %dma_wait3A_285] : memref<20000x768xf32, #tpu.memory_space<hbm>> -> memref<64x768xf32, #tpu.memory_space<hbm>>
      tpu.wait_dma2 semaphore(%arg9 : memref<!tpu.dma_semaphore, #tpu.memory_space<semaphore_mem>>) src(%arg5 : memref<64x768xf32, #tpu.memory_space<vmem>>) dst(%dma_wait3A_286 : memref<64x768xf32, #tpu.memory_space<hbm>>)
      %add3A_287 = arith.constant 96 : i32
      %add3A_288 = arith.addi %add3A, %add3A_287 : i32
      %mul3A_289 = arith.constant 64 : i32
      %mul3A_290 = arith.muli %add3A_288, %mul3A_289 : i32
      %dma_start3A = arith.constant 0 : i32
      %dma_start3A_291 = tpu.memref_slice %arg2[%mul3A_290, %dma_start3A] : memref<20000x768xf32, #tpu.memory_space<hbm>> -> memref<64x768xf32, #tpu.memory_space<hbm>>
      %dma_start3A_292 = arith.constant 0 : i32
      %dma_start3A_293 = tpu.memref_slice %arg2[%mul3A_290, %dma_start3A_292] : memref<20000x768xf32, #tpu.memory_space<hbm>> -> memref<64x768xf32, #tpu.memory_space<hbm>>
      tpu.enqueue_dma source(%dma_start3A_293 : memref<64x768xf32, #tpu.memory_space<hbm>>) target(%arg5 : memref<64x768xf32, #tpu.memory_space<vmem>>) target_semaphore(%arg7 : memref<!tpu.dma_semaphore, #tpu.memory_space<semaphore_mem>>)
    } else {
    }
    %add3A_40 = arith.constant 64 : i32
    %add3A_41 = arith.addi %add3A, %add3A_40 : i32
    %lt3A_42 = arith.constant 312 : i32
    %lt3A_43 = arith.cmpi slt, %add3A_41, %lt3A_42 : i32
    %convert_element_type3A_44 = arith.extui %lt3A_43 : i1 to i32
    %cond3A_45 = arith.constant 0 : i32
    %cond3A_46 = arith.cmpi ne, %convert_element_type3A_44, %cond3A_45 : i32
    scf.if %cond3A_46 {
      %add3A_280 = arith.constant 64 : i32
      %add3A_281 = arith.addi %add3A, %add3A_280 : i32
      %mul3A_282 = arith.constant 64 : i32
      %mul3A_283 = arith.muli %add3A_281, %mul3A_282 : i32
      %dma_wait3A = arith.constant 0 : i32
      %dma_wait3A_284 = tpu.memref_slice %arg2[%mul3A_283, %dma_wait3A] : memref<20000x768xf32, #tpu.memory_space<hbm>> -> memref<64x768xf32, #tpu.memory_space<hbm>>
      %dma_wait3A_285 = arith.constant 0 : i32
      %dma_wait3A_286 = tpu.memref_slice %arg2[%mul3A_283, %dma_wait3A_285] : memref<20000x768xf32, #tpu.memory_space<hbm>> -> memref<64x768xf32, #tpu.memory_space<hbm>>
      tpu.wait_dma2 semaphore(%arg6 : memref<!tpu.dma_semaphore, #tpu.memory_space<semaphore_mem>>) src(%dma_wait3A_286 : memref<64x768xf32, #tpu.memory_space<hbm>>) dst(%arg4 : memref<64x768xf32, #tpu.memory_space<vmem>>)
      %add3A_287 = arith.constant 64 : i32
      %add3A_288 = arith.addi %add3A, %add3A_287 : i32
      %mul3A_289 = arith.constant 64 : i32
      %mul3A_290 = arith.muli %add3A_288, %mul3A_289 : i32
      %dma_start3A = arith.constant 0 : i32
      %dma_start3A_291 = tpu.memref_slice %arg3[%mul3A_290, %dma_start3A] : memref<20000x768xf32, #tpu.memory_space<hbm>> -> memref<64x768xf32, #tpu.memory_space<hbm>>
      %dma_start3A_292 = arith.constant 0 : i32
      %dma_start3A_293 = tpu.memref_slice %arg3[%mul3A_290, %dma_start3A_292] : memref<20000x768xf32, #tpu.memory_space<hbm>> -> memref<64x768xf32, #tpu.memory_space<hbm>>
      tpu.enqueue_dma source(%arg4 : memref<64x768xf32, #tpu.memory_space<vmem>>) target(%dma_start3A_293 : memref<64x768xf32, #tpu.memory_space<hbm>>) target_semaphore(%arg8 : memref<!tpu.dma_semaphore, #tpu.memory_space<semaphore_mem>>)
    } else {
    }
    %add3A_47 = arith.constant 128 : i32
    %add3A_48 = arith.addi %add3A, %add3A_47 : i32
    %lt3A_49 = arith.constant 312 : i32
    %lt3A_50 = arith.cmpi slt, %add3A_48, %lt3A_49 : i32
    %convert_element_type3A_51 = arith.extui %lt3A_50 : i1 to i32
    %cond3A_52 = arith.constant 0 : i32
    %cond3A_53 = arith.cmpi ne, %convert_element_type3A_51, %cond3A_52 : i32
    scf.if %cond3A_53 {
      %add3A_280 = arith.constant 64 : i32
      %add3A_281 = arith.addi %add3A, %add3A_280 : i32
      %mul3A_282 = arith.constant 64 : i32
      %mul3A_283 = arith.muli %add3A_281, %mul3A_282 : i32
      %dma_wait3A = arith.constant 0 : i32
      %dma_wait3A_284 = tpu.memref_slice %arg3[%mul3A_283, %dma_wait3A] : memref<20000x768xf32, #tpu.memory_space<hbm>> -> memref<64x768xf32, #tpu.memory_space<hbm>>
      %dma_wait3A_285 = arith.constant 0 : i32
      %dma_wait3A_286 = tpu.memref_slice %arg3[%mul3A_283, %dma_wait3A_285] : memref<20000x768xf32, #tpu.memory_space<hbm>> -> memref<64x768xf32, #tpu.memory_space<hbm>>
      tpu.wait_dma2 semaphore(%arg8 : memref<!tpu.dma_semaphore, #tpu.memory_space<semaphore_mem>>) src(%arg4 : memref<64x768xf32, #tpu.memory_space<vmem>>) dst(%dma_wait3A_286 : memref<64x768xf32, #tpu.memory_space<hbm>>)
      %add3A_287 = arith.constant 128 : i32
      %add3A_288 = arith.addi %add3A, %add3A_287 : i32
      %mul3A_289 = arith.constant 64 : i32
      %mul3A_290 = arith.muli %add3A_288, %mul3A_289 : i32
      %dma_start3A = arith.constant 0 : i32
      %dma_start3A_291 = tpu.memref_slice %arg2[%mul3A_290, %dma_start3A] : memref<20000x768xf32, #tpu.memory_space<hbm>> -> memref<64x768xf32, #tpu.memory_space<hbm>>
      %dma_start3A_292 = arith.constant 0 : i32
      %dma_start3A_293 = tpu.memref_slice %arg2[%mul3A_290, %dma_start3A_292] : memref<20000x768xf32, #tpu.memory_space<hbm>> -> memref<64x768xf32, #tpu.memory_space<hbm>>
      tpu.enqueue_dma source(%dma_start3A_293 : memref<64x768xf32, #tpu.memory_space<hbm>>) target(%arg4 : memref<64x768xf32, #tpu.memory_space<vmem>>) target_semaphore(%arg6 : memref<!tpu.dma_semaphore, #tpu.memory_space<semaphore_mem>>)
    } else {
    }
    %add3A_54 = arith.constant 96 : i32
    %add3A_55 = arith.addi %add3A, %add3A_54 : i32
    %lt3A_56 = arith.constant 312 : i32
    %lt3A_57 = arith.cmpi slt, %add3A_55, %lt3A_56 : i32
    %convert_element_type3A_58 = arith.extui %lt3A_57 : i1 to i32
    %cond3A_59 = arith.constant 0 : i32
    %cond3A_60 = arith.cmpi ne, %convert_element_type3A_58, %cond3A_59 : i32
    scf.if %cond3A_60 {
      %add3A_280 = arith.constant 96 : i32
      %add3A_281 = arith.addi %add3A, %add3A_280 : i32
      %mul3A_282 = arith.constant 64 : i32
      %mul3A_283 = arith.muli %add3A_281, %mul3A_282 : i32
      %dma_wait3A = arith.constant 0 : i32
      %dma_wait3A_284 = tpu.memref_slice %arg2[%mul3A_283, %dma_wait3A] : memref<20000x768xf32, #tpu.memory_space<hbm>> -> memref<64x768xf32, #tpu.memory_space<hbm>>
      %dma_wait3A_285 = arith.constant 0 : i32
      %dma_wait3A_286 = tpu.memref_slice %arg2[%mul3A_283, %dma_wait3A_285] : memref<20000x768xf32, #tpu.memory_space<hbm>> -> memref<64x768xf32, #tpu.memory_space<hbm>>
      tpu.wait_dma2 semaphore(%arg7 : memref<!tpu.dma_semaphore, #tpu.memory_space<semaphore_mem>>) src(%dma_wait3A_286 : memref<64x768xf32, #tpu.memory_space<hbm>>) dst(%arg5 : memref<64x768xf32, #tpu.memory_space<vmem>>)
      %add3A_287 = arith.constant 96 : i32
      %add3A_288 = arith.addi %add3A, %add3A_287 : i32
      %mul3A_289 = arith.constant 64 : i32
      %mul3A_290 = arith.muli %add3A_288, %mul3A_289 : i32
      %dma_start3A = arith.constant 0 : i32
      %dma_start3A_291 = tpu.memref_slice %arg3[%mul3A_290, %dma_start3A] : memref<20000x768xf32, #tpu.memory_space<hbm>> -> memref<64x768xf32, #tpu.memory_space<hbm>>
      %dma_start3A_292 = arith.constant 0 : i32
      %dma_start3A_293 = tpu.memref_slice %arg3[%mul3A_290, %dma_start3A_292] : memref<20000x768xf32, #tpu.memory_space<hbm>> -> memref<64x768xf32, #tpu.memory_space<hbm>>
      tpu.enqueue_dma source(%arg5 : memref<64x768xf32, #tpu.memory_space<vmem>>) target(%dma_start3A_293 : memref<64x768xf32, #tpu.memory_space<hbm>>) target_semaphore(%arg9 : memref<!tpu.dma_semaphore, #tpu.memory_space<semaphore_mem>>)
    } else {
    }
    %add3A_61 = arith.constant 160 : i32
    %add3A_62 = arith.addi %add3A, %add3A_61 : i32
    %lt3A_63 = arith.constant 312 : i32
    %lt3A_64 = arith.cmpi slt, %add3A_62, %lt3A_63 : i32
    %convert_element_type3A_65 = arith.extui %lt3A_64 : i1 to i32
    %cond3A_66 = arith.constant 0 : i32
    %cond3A_67 = arith.cmpi ne, %convert_element_type3A_65, %cond3A_66 : i32
    scf.if %cond3A_67 {
      %add3A_280 = arith.constant 96 : i32
      %add3A_281 = arith.addi %add3A, %add3A_280 : i32
      %mul3A_282 = arith.constant 64 : i32
      %mul3A_283 = arith.muli %add3A_281, %mul3A_282 : i32
      %dma_wait3A = arith.constant 0 : i32
      %dma_wait3A_284 = tpu.memref_slice %arg3[%mul3A_283, %dma_wait3A] : memref<20000x768xf32, #tpu.memory_space<hbm>> -> memref<64x768xf32, #tpu.memory_space<hbm>>
      %dma_wait3A_285 = arith.constant 0 : i32
      %dma_wait3A_286 = tpu.memref_slice %arg3[%mul3A_283, %dma_wait3A_285] : memref<20000x768xf32, #tpu.memory_space<hbm>> -> memref<64x768xf32, #tpu.memory_space<hbm>>
      tpu.wait_dma2 semaphore(%arg9 : memref<!tpu.dma_semaphore, #tpu.memory_space<semaphore_mem>>) src(%arg5 : memref<64x768xf32, #tpu.memory_space<vmem>>) dst(%dma_wait3A_286 : memref<64x768xf32, #tpu.memory_space<hbm>>)
      %add3A_287 = arith.constant 160 : i32
      %add3A_288 = arith.addi %add3A, %add3A_287 : i32
      %mul3A_289 = arith.constant 64 : i32
      %mul3A_290 = arith.muli %add3A_288, %mul3A_289 : i32
      %dma_start3A = arith.constant 0 : i32
      %dma_start3A_291 = tpu.memref_slice %arg2[%mul3A_290, %dma_start3A] : memref<20000x768xf32, #tpu.memory_space<hbm>> -> memref<64x768xf32, #tpu.memory_space<hbm>>
      %dma_start3A_292 = arith.constant 0 : i32
      %dma_start3A_293 = tpu.memref_slice %arg2[%mul3A_290, %dma_start3A_292] : memref<20000x768xf32, #tpu.memory_space<hbm>> -> memref<64x768xf32, #tpu.memory_space<hbm>>
      tpu.enqueue_dma source(%dma_start3A_293 : memref<64x768xf32, #tpu.memory_space<hbm>>) target(%arg5 : memref<64x768xf32, #tpu.memory_space<vmem>>) target_semaphore(%arg7 : memref<!tpu.dma_semaphore, #tpu.memory_space<semaphore_mem>>)
    } else {
    }
    %add3A_68 = arith.constant 128 : i32
    %add3A_69 = arith.addi %add3A, %add3A_68 : i32
    %lt3A_70 = arith.constant 312 : i32
    %lt3A_71 = arith.cmpi slt, %add3A_69, %lt3A_70 : i32
    %convert_element_type3A_72 = arith.extui %lt3A_71 : i1 to i32
    %cond3A_73 = arith.constant 0 : i32
    %cond3A_74 = arith.cmpi ne, %convert_element_type3A_72, %cond3A_73 : i32
    scf.if %cond3A_74 {
      %add3A_280 = arith.constant 128 : i32
      %add3A_281 = arith.addi %add3A, %add3A_280 : i32
      %mul3A_282 = arith.constant 64 : i32
      %mul3A_283 = arith.muli %add3A_281, %mul3A_282 : i32
      %dma_wait3A = arith.constant 0 : i32
      %dma_wait3A_284 = tpu.memref_slice %arg2[%mul3A_283, %dma_wait3A] : memref<20000x768xf32, #tpu.memory_space<hbm>> -> memref<64x768xf32, #tpu.memory_space<hbm>>
      %dma_wait3A_285 = arith.constant 0 : i32
      %dma_wait3A_286 = tpu.memref_slice %arg2[%mul3A_283, %dma_wait3A_285] : memref<20000x768xf32, #tpu.memory_space<hbm>> -> memref<64x768xf32, #tpu.memory_space<hbm>>
      tpu.wait_dma2 semaphore(%arg6 : memref<!tpu.dma_semaphore, #tpu.memory_space<semaphore_mem>>) src(%dma_wait3A_286 : memref<64x768xf32, #tpu.memory_space<hbm>>) dst(%arg4 : memref<64x768xf32, #tpu.memory_space<vmem>>)
      %add3A_287 = arith.constant 128 : i32
      %add3A_288 = arith.addi %add3A, %add3A_287 : i32
      %mul3A_289 = arith.constant 64 : i32
      %mul3A_290 = arith.muli %add3A_288, %mul3A_289 : i32
      %dma_start3A = arith.constant 0 : i32
      %dma_start3A_291 = tpu.memref_slice %arg3[%mul3A_290, %dma_start3A] : memref<20000x768xf32, #tpu.memory_space<hbm>> -> memref<64x768xf32, #tpu.memory_space<hbm>>
      %dma_start3A_292 = arith.constant 0 : i32
      %dma_start3A_293 = tpu.memref_slice %arg3[%mul3A_290, %dma_start3A_292] : memref<20000x768xf32, #tpu.memory_space<hbm>> -> memref<64x768xf32, #tpu.memory_space<hbm>>
      tpu.enqueue_dma source(%arg4 : memref<64x768xf32, #tpu.memory_space<vmem>>) target(%dma_start3A_293 : memref<64x768xf32, #tpu.memory_space<hbm>>) target_semaphore(%arg8 : memref<!tpu.dma_semaphore, #tpu.memory_space<semaphore_mem>>)
    } else {
    }
    %add3A_75 = arith.constant 192 : i32
    %add3A_76 = arith.addi %add3A, %add3A_75 : i32
    %lt3A_77 = arith.constant 312 : i32
    %lt3A_78 = arith.cmpi slt, %add3A_76, %lt3A_77 : i32
    %convert_element_type3A_79 = arith.extui %lt3A_78 : i1 to i32
    %cond3A_80 = arith.constant 0 : i32
    %cond3A_81 = arith.cmpi ne, %convert_element_type3A_79, %cond3A_80 : i32
    scf.if %cond3A_81 {
      %add3A_280 = arith.constant 128 : i32
      %add3A_281 = arith.addi %add3A, %add3A_280 : i32
      %mul3A_282 = arith.constant 64 : i32
      %mul3A_283 = arith.muli %add3A_281, %mul3A_282 : i32
      %dma_wait3A = arith.constant 0 : i32
      %dma_wait3A_284 = tpu.memref_slice %arg3[%mul3A_283, %dma_wait3A] : memref<20000x768xf32, #tpu.memory_space<hbm>> -> memref<64x768xf32, #tpu.memory_space<hbm>>
      %dma_wait3A_285 = arith.constant 0 : i32
      %dma_wait3A_286 = tpu.memref_slice %arg3[%mul3A_283, %dma_wait3A_285] : memref<20000x768xf32, #tpu.memory_space<hbm>> -> memref<64x768xf32, #tpu.memory_space<hbm>>
      tpu.wait_dma2 semaphore(%arg8 : memref<!tpu.dma_semaphore, #tpu.memory_space<semaphore_mem>>) src(%arg4 : memref<64x768xf32, #tpu.memory_space<vmem>>) dst(%dma_wait3A_286 : memref<64x768xf32, #tpu.memory_space<hbm>>)
      %add3A_287 = arith.constant 192 : i32
      %add3A_288 = arith.addi %add3A, %add3A_287 : i32
      %mul3A_289 = arith.constant 64 : i32
      %mul3A_290 = arith.muli %add3A_288, %mul3A_289 : i32
      %dma_start3A = arith.constant 0 : i32
      %dma_start3A_291 = tpu.memref_slice %arg2[%mul3A_290, %dma_start3A] : memref<20000x768xf32, #tpu.memory_space<hbm>> -> memref<64x768xf32, #tpu.memory_space<hbm>>
      %dma_start3A_292 = arith.constant 0 : i32
      %dma_start3A_293 = tpu.memref_slice %arg2[%mul3A_290, %dma_start3A_292] : memref<20000x768xf32, #tpu.memory_space<hbm>> -> memref<64x768xf32, #tpu.memory_space<hbm>>
      tpu.enqueue_dma source(%dma_start3A_293 : memref<64x768xf32, #tpu.memory_space<hbm>>) target(%arg4 : memref<64x768xf32, #tpu.memory_space<vmem>>) target_semaphore(%arg6 : memref<!tpu.dma_semaphore, #tpu.memory_space<semaphore_mem>>)
    } else {
    }
    %add3A_82 = arith.constant 160 : i32
    %add3A_83 = arith.addi %add3A, %add3A_82 : i32
    %lt3A_84 = arith.constant 312 : i32
    %lt3A_85 = arith.cmpi slt, %add3A_83, %lt3A_84 : i32
    %convert_element_type3A_86 = arith.extui %lt3A_85 : i1 to i32
    %cond3A_87 = arith.constant 0 : i32
    %cond3A_88 = arith.cmpi ne, %convert_element_type3A_86, %cond3A_87 : i32
    scf.if %cond3A_88 {
      %add3A_280 = arith.constant 160 : i32
      %add3A_281 = arith.addi %add3A, %add3A_280 : i32
      %mul3A_282 = arith.constant 64 : i32
      %mul3A_283 = arith.muli %add3A_281, %mul3A_282 : i32
      %dma_wait3A = arith.constant 0 : i32
      %dma_wait3A_284 = tpu.memref_slice %arg2[%mul3A_283, %dma_wait3A] : memref<20000x768xf32, #tpu.memory_space<hbm>> -> memref<64x768xf32, #tpu.memory_space<hbm>>
      %dma_wait3A_285 = arith.constant 0 : i32
      %dma_wait3A_286 = tpu.memref_slice %arg2[%mul3A_283, %dma_wait3A_285] : memref<20000x768xf32, #tpu.memory_space<hbm>> -> memref<64x768xf32, #tpu.memory_space<hbm>>
      tpu.wait_dma2 semaphore(%arg7 : memref<!tpu.dma_semaphore, #tpu.memory_space<semaphore_mem>>) src(%dma_wait3A_286 : memref<64x768xf32, #tpu.memory_space<hbm>>) dst(%arg5 : memref<64x768xf32, #tpu.memory_space<vmem>>)
      %add3A_287 = arith.constant 160 : i32
      %add3A_288 = arith.addi %add3A, %add3A_287 : i32
      %mul3A_289 = arith.constant 64 : i32
      %mul3A_290 = arith.muli %add3A_288, %mul3A_289 : i32
      %dma_start3A = arith.constant 0 : i32
      %dma_start3A_291 = tpu.memref_slice %arg3[%mul3A_290, %dma_start3A] : memref<20000x768xf32, #tpu.memory_space<hbm>> -> memref<64x768xf32, #tpu.memory_space<hbm>>
      %dma_start3A_292 = arith.constant 0 : i32
      %dma_start3A_293 = tpu.memref_slice %arg3[%mul3A_290, %dma_start3A_292] : memref<20000x768xf32, #tpu.memory_space<hbm>> -> memref<64x768xf32, #tpu.memory_space<hbm>>
      tpu.enqueue_dma source(%arg5 : memref<64x768xf32, #tpu.memory_space<vmem>>) target(%dma_start3A_293 : memref<64x768xf32, #tpu.memory_space<hbm>>) target_semaphore(%arg9 : memref<!tpu.dma_semaphore, #tpu.memory_space<semaphore_mem>>)
    } else {
    }
    %add3A_89 = arith.constant 224 : i32
    %add3A_90 = arith.addi %add3A, %add3A_89 : i32
    %lt3A_91 = arith.constant 312 : i32
    %lt3A_92 = arith.cmpi slt, %add3A_90, %lt3A_91 : i32
    %convert_element_type3A_93 = arith.extui %lt3A_92 : i1 to i32
    %cond3A_94 = arith.constant 0 : i32
    %cond3A_95 = arith.cmpi ne, %convert_element_type3A_93, %cond3A_94 : i32
    scf.if %cond3A_95 {
      %add3A_280 = arith.constant 160 : i32
      %add3A_281 = arith.addi %add3A, %add3A_280 : i32
      %mul3A_282 = arith.constant 64 : i32
      %mul3A_283 = arith.muli %add3A_281, %mul3A_282 : i32
      %dma_wait3A = arith.constant 0 : i32
      %dma_wait3A_284 = tpu.memref_slice %arg3[%mul3A_283, %dma_wait3A] : memref<20000x768xf32, #tpu.memory_space<hbm>> -> memref<64x768xf32, #tpu.memory_space<hbm>>
      %dma_wait3A_285 = arith.constant 0 : i32
      %dma_wait3A_286 = tpu.memref_slice %arg3[%mul3A_283, %dma_wait3A_285] : memref<20000x768xf32, #tpu.memory_space<hbm>> -> memref<64x768xf32, #tpu.memory_space<hbm>>
      tpu.wait_dma2 semaphore(%arg9 : memref<!tpu.dma_semaphore, #tpu.memory_space<semaphore_mem>>) src(%arg5 : memref<64x768xf32, #tpu.memory_space<vmem>>) dst(%dma_wait3A_286 : memref<64x768xf32, #tpu.memory_space<hbm>>)
      %add3A_287 = arith.constant 224 : i32
      %add3A_288 = arith.addi %add3A, %add3A_287 : i32
      %mul3A_289 = arith.constant 64 : i32
      %mul3A_290 = arith.muli %add3A_288, %mul3A_289 : i32
      %dma_start3A = arith.constant 0 : i32
      %dma_start3A_291 = tpu.memref_slice %arg2[%mul3A_290, %dma_start3A] : memref<20000x768xf32, #tpu.memory_space<hbm>> -> memref<64x768xf32, #tpu.memory_space<hbm>>
      %dma_start3A_292 = arith.constant 0 : i32
      %dma_start3A_293 = tpu.memref_slice %arg2[%mul3A_290, %dma_start3A_292] : memref<20000x768xf32, #tpu.memory_space<hbm>> -> memref<64x768xf32, #tpu.memory_space<hbm>>
      tpu.enqueue_dma source(%dma_start3A_293 : memref<64x768xf32, #tpu.memory_space<hbm>>) target(%arg5 : memref<64x768xf32, #tpu.memory_space<vmem>>) target_semaphore(%arg7 : memref<!tpu.dma_semaphore, #tpu.memory_space<semaphore_mem>>)
    } else {
    }
    %add3A_96 = arith.constant 192 : i32
    %add3A_97 = arith.addi %add3A, %add3A_96 : i32
    %lt3A_98 = arith.constant 312 : i32
    %lt3A_99 = arith.cmpi slt, %add3A_97, %lt3A_98 : i32
    %convert_element_type3A_100 = arith.extui %lt3A_99 : i1 to i32
    %cond3A_101 = arith.constant 0 : i32
    %cond3A_102 = arith.cmpi ne, %convert_element_type3A_100, %cond3A_101 : i32
    scf.if %cond3A_102 {
      %add3A_280 = arith.constant 192 : i32
      %add3A_281 = arith.addi %add3A, %add3A_280 : i32
      %mul3A_282 = arith.constant 64 : i32
      %mul3A_283 = arith.muli %add3A_281, %mul3A_282 : i32
      %dma_wait3A = arith.constant 0 : i32
      %dma_wait3A_284 = tpu.memref_slice %arg2[%mul3A_283, %dma_wait3A] : memref<20000x768xf32, #tpu.memory_space<hbm>> -> memref<64x768xf32, #tpu.memory_space<hbm>>
      %dma_wait3A_285 = arith.constant 0 : i32
      %dma_wait3A_286 = tpu.memref_slice %arg2[%mul3A_283, %dma_wait3A_285] : memref<20000x768xf32, #tpu.memory_space<hbm>> -> memref<64x768xf32, #tpu.memory_space<hbm>>
      tpu.wait_dma2 semaphore(%arg6 : memref<!tpu.dma_semaphore, #tpu.memory_space<semaphore_mem>>) src(%dma_wait3A_286 : memref<64x768xf32, #tpu.memory_space<hbm>>) dst(%arg4 : memref<64x768xf32, #tpu.memory_space<vmem>>)
      %add3A_287 = arith.constant 192 : i32
      %add3A_288 = arith.addi %add3A, %add3A_287 : i32
      %mul3A_289 = arith.constant 64 : i32
      %mul3A_290 = arith.muli %add3A_288, %mul3A_289 : i32
      %dma_start3A = arith.constant 0 : i32
      %dma_start3A_291 = tpu.memref_slice %arg3[%mul3A_290, %dma_start3A] : memref<20000x768xf32, #tpu.memory_space<hbm>> -> memref<64x768xf32, #tpu.memory_space<hbm>>
      %dma_start3A_292 = arith.constant 0 : i32
      %dma_start3A_293 = tpu.memref_slice %arg3[%mul3A_290, %dma_start3A_292] : memref<20000x768xf32, #tpu.memory_space<hbm>> -> memref<64x768xf32, #tpu.memory_space<hbm>>
      tpu.enqueue_dma source(%arg4 : memref<64x768xf32, #tpu.memory_space<vmem>>) target(%dma_start3A_293 : memref<64x768xf32, #tpu.memory_space<hbm>>) target_semaphore(%arg8 : memref<!tpu.dma_semaphore, #tpu.memory_space<semaphore_mem>>)
    } else {
    }
    %add3A_103 = arith.constant 256 : i32
    %add3A_104 = arith.addi %add3A, %add3A_103 : i32
    %lt3A_105 = arith.constant 312 : i32
    %lt3A_106 = arith.cmpi slt, %add3A_104, %lt3A_105 : i32
    %convert_element_type3A_107 = arith.extui %lt3A_106 : i1 to i32
    %cond3A_108 = arith.constant 0 : i32
    %cond3A_109 = arith.cmpi ne, %convert_element_type3A_107, %cond3A_108 : i32
    scf.if %cond3A_109 {
      %add3A_280 = arith.constant 192 : i32
      %add3A_281 = arith.addi %add3A, %add3A_280 : i32
      %mul3A_282 = arith.constant 64 : i32
      %mul3A_283 = arith.muli %add3A_281, %mul3A_282 : i32
      %dma_wait3A = arith.constant 0 : i32
      %dma_wait3A_284 = tpu.memref_slice %arg3[%mul3A_283, %dma_wait3A] : memref<20000x768xf32, #tpu.memory_space<hbm>> -> memref<64x768xf32, #tpu.memory_space<hbm>>
      %dma_wait3A_285 = arith.constant 0 : i32
      %dma_wait3A_286 = tpu.memref_slice %arg3[%mul3A_283, %dma_wait3A_285] : memref<20000x768xf32, #tpu.memory_space<hbm>> -> memref<64x768xf32, #tpu.memory_space<hbm>>
      tpu.wait_dma2 semaphore(%arg8 : memref<!tpu.dma_semaphore, #tpu.memory_space<semaphore_mem>>) src(%arg4 : memref<64x768xf32, #tpu.memory_space<vmem>>) dst(%dma_wait3A_286 : memref<64x768xf32, #tpu.memory_space<hbm>>)
      %add3A_287 = arith.constant 256 : i32
      %add3A_288 = arith.addi %add3A, %add3A_287 : i32
      %mul3A_289 = arith.constant 64 : i32
      %mul3A_290 = arith.muli %add3A_288, %mul3A_289 : i32
      %dma_start3A = arith.constant 0 : i32
      %dma_start3A_291 = tpu.memref_slice %arg2[%mul3A_290, %dma_start3A] : memref<20000x768xf32, #tpu.memory_space<hbm>> -> memref<64x768xf32, #tpu.memory_space<hbm>>
      %dma_start3A_292 = arith.constant 0 : i32
      %dma_start3A_293 = tpu.memref_slice %arg2[%mul3A_290, %dma_start3A_292] : memref<20000x768xf32, #tpu.memory_space<hbm>> -> memref<64x768xf32, #tpu.memory_space<hbm>>
      tpu.enqueue_dma source(%dma_start3A_293 : memref<64x768xf32, #tpu.memory_space<hbm>>) target(%arg4 : memref<64x768xf32, #tpu.memory_space<vmem>>) target_semaphore(%arg6 : memref<!tpu.dma_semaphore, #tpu.memory_space<semaphore_mem>>)
    } else {
    }
    %add3A_110 = arith.constant 224 : i32
    %add3A_111 = arith.addi %add3A, %add3A_110 : i32
    %lt3A_112 = arith.constant 312 : i32
    %lt3A_113 = arith.cmpi slt, %add3A_111, %lt3A_112 : i32
    %convert_element_type3A_114 = arith.extui %lt3A_113 : i1 to i32
    %cond3A_115 = arith.constant 0 : i32
    %cond3A_116 = arith.cmpi ne, %convert_element_type3A_114, %cond3A_115 : i32
    scf.if %cond3A_116 {
      %add3A_280 = arith.constant 224 : i32
      %add3A_281 = arith.addi %add3A, %add3A_280 : i32
      %mul3A_282 = arith.constant 64 : i32
      %mul3A_283 = arith.muli %add3A_281, %mul3A_282 : i32
      %dma_wait3A = arith.constant 0 : i32
      %dma_wait3A_284 = tpu.memref_slice %arg2[%mul3A_283, %dma_wait3A] : memref<20000x768xf32, #tpu.memory_space<hbm>> -> memref<64x768xf32, #tpu.memory_space<hbm>>
      %dma_wait3A_285 = arith.constant 0 : i32
      %dma_wait3A_286 = tpu.memref_slice %arg2[%mul3A_283, %dma_wait3A_285] : memref<20000x768xf32, #tpu.memory_space<hbm>> -> memref<64x768xf32, #tpu.memory_space<hbm>>
      tpu.wait_dma2 semaphore(%arg7 : memref<!tpu.dma_semaphore, #tpu.memory_space<semaphore_mem>>) src(%dma_wait3A_286 : memref<64x768xf32, #tpu.memory_space<hbm>>) dst(%arg5 : memref<64x768xf32, #tpu.memory_space<vmem>>)
      %add3A_287 = arith.constant 224 : i32
      %add3A_288 = arith.addi %add3A, %add3A_287 : i32
      %mul3A_289 = arith.constant 64 : i32
      %mul3A_290 = arith.muli %add3A_288, %mul3A_289 : i32
      %dma_start3A = arith.constant 0 : i32
      %dma_start3A_291 = tpu.memref_slice %arg3[%mul3A_290, %dma_start3A] : memref<20000x768xf32, #tpu.memory_space<hbm>> -> memref<64x768xf32, #tpu.memory_space<hbm>>
      %dma_start3A_292 = arith.constant 0 : i32
      %dma_start3A_293 = tpu.memref_slice %arg3[%mul3A_290, %dma_start3A_292] : memref<20000x768xf32, #tpu.memory_space<hbm>> -> memref<64x768xf32, #tpu.memory_space<hbm>>
      tpu.enqueue_dma source(%arg5 : memref<64x768xf32, #tpu.memory_space<vmem>>) target(%dma_start3A_293 : memref<64x768xf32, #tpu.memory_space<hbm>>) target_semaphore(%arg9 : memref<!tpu.dma_semaphore, #tpu.memory_space<semaphore_mem>>)
    } else {
    }
    %add3A_117 = arith.constant 288 : i32
    %add3A_118 = arith.addi %add3A, %add3A_117 : i32
    %lt3A_119 = arith.constant 312 : i32
    %lt3A_120 = arith.cmpi slt, %add3A_118, %lt3A_119 : i32
    %convert_element_type3A_121 = arith.extui %lt3A_120 : i1 to i32
    %cond3A_122 = arith.constant 0 : i32
    %cond3A_123 = arith.cmpi ne, %convert_element_type3A_121, %cond3A_122 : i32
    scf.if %cond3A_123 {
      %add3A_280 = arith.constant 224 : i32
      %add3A_281 = arith.addi %add3A, %add3A_280 : i32
      %mul3A_282 = arith.constant 64 : i32
      %mul3A_283 = arith.muli %add3A_281, %mul3A_282 : i32
      %dma_wait3A = arith.constant 0 : i32
      %dma_wait3A_284 = tpu.memref_slice %arg3[%mul3A_283, %dma_wait3A] : memref<20000x768xf32, #tpu.memory_space<hbm>> -> memref<64x768xf32, #tpu.memory_space<hbm>>
      %dma_wait3A_285 = arith.constant 0 : i32
      %dma_wait3A_286 = tpu.memref_slice %arg3[%mul3A_283, %dma_wait3A_285] : memref<20000x768xf32, #tpu.memory_space<hbm>> -> memref<64x768xf32, #tpu.memory_space<hbm>>
      tpu.wait_dma2 semaphore(%arg9 : memref<!tpu.dma_semaphore, #tpu.memory_space<semaphore_mem>>) src(%arg5 : memref<64x768xf32, #tpu.memory_space<vmem>>) dst(%dma_wait3A_286 : memref<64x768xf32, #tpu.memory_space<hbm>>)
      %add3A_287 = arith.constant 288 : i32
      %add3A_288 = arith.addi %add3A, %add3A_287 : i32
      %mul3A_289 = arith.constant 64 : i32
      %mul3A_290 = arith.muli %add3A_288, %mul3A_289 : i32
      %dma_start3A = arith.constant 0 : i32
      %dma_start3A_291 = tpu.memref_slice %arg2[%mul3A_290, %dma_start3A] : memref<20000x768xf32, #tpu.memory_space<hbm>> -> memref<64x768xf32, #tpu.memory_space<hbm>>
      %dma_start3A_292 = arith.constant 0 : i32
      %dma_start3A_293 = tpu.memref_slice %arg2[%mul3A_290, %dma_start3A_292] : memref<20000x768xf32, #tpu.memory_space<hbm>> -> memref<64x768xf32, #tpu.memory_space<hbm>>
      tpu.enqueue_dma source(%dma_start3A_293 : memref<64x768xf32, #tpu.memory_space<hbm>>) target(%arg5 : memref<64x768xf32, #tpu.memory_space<vmem>>) target_semaphore(%arg7 : memref<!tpu.dma_semaphore, #tpu.memory_space<semaphore_mem>>)
    } else {
    }
    %add3A_124 = arith.constant 256 : i32
    %add3A_125 = arith.addi %add3A, %add3A_124 : i32
    %lt3A_126 = arith.constant 312 : i32
    %lt3A_127 = arith.cmpi slt, %add3A_125, %lt3A_126 : i32
    %convert_element_type3A_128 = arith.extui %lt3A_127 : i1 to i32
    %cond3A_129 = arith.constant 0 : i32
    %cond3A_130 = arith.cmpi ne, %convert_element_type3A_128, %cond3A_129 : i32
    scf.if %cond3A_130 {
      %add3A_280 = arith.constant 256 : i32
      %add3A_281 = arith.addi %add3A, %add3A_280 : i32
      %mul3A_282 = arith.constant 64 : i32
      %mul3A_283 = arith.muli %add3A_281, %mul3A_282 : i32
      %dma_wait3A = arith.constant 0 : i32
      %dma_wait3A_284 = tpu.memref_slice %arg2[%mul3A_283, %dma_wait3A] : memref<20000x768xf32, #tpu.memory_space<hbm>> -> memref<64x768xf32, #tpu.memory_space<hbm>>
      %dma_wait3A_285 = arith.constant 0 : i32
      %dma_wait3A_286 = tpu.memref_slice %arg2[%mul3A_283, %dma_wait3A_285] : memref<20000x768xf32, #tpu.memory_space<hbm>> -> memref<64x768xf32, #tpu.memory_space<hbm>>
      tpu.wait_dma2 semaphore(%arg6 : memref<!tpu.dma_semaphore, #tpu.memory_space<semaphore_mem>>) src(%dma_wait3A_286 : memref<64x768xf32, #tpu.memory_space<hbm>>) dst(%arg4 : memref<64x768xf32, #tpu.memory_space<vmem>>)
      %add3A_287 = arith.constant 256 : i32
      %add3A_288 = arith.addi %add3A, %add3A_287 : i32
      %mul3A_289 = arith.constant 64 : i32
      %mul3A_290 = arith.muli %add3A_288, %mul3A_289 : i32
      %dma_start3A = arith.constant 0 : i32
      %dma_start3A_291 = tpu.memref_slice %arg3[%mul3A_290, %dma_start3A] : memref<20000x768xf32, #tpu.memory_space<hbm>> -> memref<64x768xf32, #tpu.memory_space<hbm>>
      %dma_start3A_292 = arith.constant 0 : i32
      %dma_start3A_293 = tpu.memref_slice %arg3[%mul3A_290, %dma_start3A_292] : memref<20000x768xf32, #tpu.memory_space<hbm>> -> memref<64x768xf32, #tpu.memory_space<hbm>>
      tpu.enqueue_dma source(%arg4 : memref<64x768xf32, #tpu.memory_space<vmem>>) target(%dma_start3A_293 : memref<64x768xf32, #tpu.memory_space<hbm>>) target_semaphore(%arg8 : memref<!tpu.dma_semaphore, #tpu.memory_space<semaphore_mem>>)
    } else {
    }
    %add3A_131 = arith.constant 288 : i32
    %add3A_132 = arith.addi %add3A, %add3A_131 : i32
    %lt3A_133 = arith.constant 312 : i32
    %lt3A_134 = arith.cmpi slt, %add3A_132, %lt3A_133 : i32
    %convert_element_type3A_135 = arith.extui %lt3A_134 : i1 to i32
    %cond3A_136 = arith.constant 0 : i32
    %cond3A_137 = arith.cmpi ne, %convert_element_type3A_135, %cond3A_136 : i32
    scf.if %cond3A_137 {
      %add3A_280 = arith.constant 288 : i32
      %add3A_281 = arith.addi %add3A, %add3A_280 : i32
      %mul3A_282 = arith.constant 64 : i32
      %mul3A_283 = arith.muli %add3A_281, %mul3A_282 : i32
      %dma_wait3A = arith.constant 0 : i32
      %dma_wait3A_284 = tpu.memref_slice %arg2[%mul3A_283, %dma_wait3A] : memref<20000x768xf32, #tpu.memory_space<hbm>> -> memref<64x768xf32, #tpu.memory_space<hbm>>
      %dma_wait3A_285 = arith.constant 0 : i32
      %dma_wait3A_286 = tpu.memref_slice %arg2[%mul3A_283, %dma_wait3A_285] : memref<20000x768xf32, #tpu.memory_space<hbm>> -> memref<64x768xf32, #tpu.memory_space<hbm>>
      tpu.wait_dma2 semaphore(%arg7 : memref<!tpu.dma_semaphore, #tpu.memory_space<semaphore_mem>>) src(%dma_wait3A_286 : memref<64x768xf32, #tpu.memory_space<hbm>>) dst(%arg5 : memref<64x768xf32, #tpu.memory_space<vmem>>)
      %add3A_287 = arith.constant 288 : i32
      %add3A_288 = arith.addi %add3A, %add3A_287 : i32
      %mul3A_289 = arith.constant 64 : i32
      %mul3A_290 = arith.muli %add3A_288, %mul3A_289 : i32
      %dma_start3A = arith.constant 0 : i32
      %dma_start3A_291 = tpu.memref_slice %arg3[%mul3A_290, %dma_start3A] : memref<20000x768xf32, #tpu.memory_space<hbm>> -> memref<64x768xf32, #tpu.memory_space<hbm>>
      %dma_start3A_292 = arith.constant 0 : i32
      %dma_start3A_293 = tpu.memref_slice %arg3[%mul3A_290, %dma_start3A_292] : memref<20000x768xf32, #tpu.memory_space<hbm>> -> memref<64x768xf32, #tpu.memory_space<hbm>>
      tpu.enqueue_dma source(%arg5 : memref<64x768xf32, #tpu.memory_space<vmem>>) target(%dma_start3A_293 : memref<64x768xf32, #tpu.memory_space<hbm>>) target_semaphore(%arg9 : memref<!tpu.dma_semaphore, #tpu.memory_space<semaphore_mem>>)
    } else {
    }
    %add3A_138 = arith.constant 0 : i32
    %add3A_139 = arith.addi %add3A, %add3A_138 : i32
    %lt3A_140 = arith.constant 312 : i32
    %lt3A_141 = arith.cmpi slt, %add3A_139, %lt3A_140 : i32
    %add3A_142 = arith.constant 0 : i32
    %add3A_143 = arith.addi %add3A, %add3A_142 : i32
    %add3A_144 = arith.constant 64 : i32
    %add3A_145 = arith.addi %add3A_143, %add3A_144 : i32
    %ge3A = arith.constant 312 : i32
    %ge3A_146 = arith.cmpi sge, %add3A_145, %ge3A : i32
    %and3A = arith.andi %lt3A_141, %ge3A_146 : i1
    %convert_element_type3A_147 = arith.extui %and3A : i1 to i32
    %cond3A_148 = arith.constant 0 : i32
    %cond3A_149 = arith.cmpi ne, %convert_element_type3A_147, %cond3A_148 : i32
    scf.if %cond3A_149 {
      %add3A_280 = arith.constant 0 : i32
      %add3A_281 = arith.addi %add3A, %add3A_280 : i32
      %mul3A_282 = arith.constant 64 : i32
      %mul3A_283 = arith.muli %add3A_281, %mul3A_282 : i32
      %dma_wait3A = arith.constant 0 : i32
      %dma_wait3A_284 = tpu.memref_slice %arg3[%mul3A_283, %dma_wait3A] : memref<20000x768xf32, #tpu.memory_space<hbm>> -> memref<64x768xf32, #tpu.memory_space<hbm>>
      %dma_wait3A_285 = arith.constant 0 : i32
      %dma_wait3A_286 = tpu.memref_slice %arg3[%mul3A_283, %dma_wait3A_285] : memref<20000x768xf32, #tpu.memory_space<hbm>> -> memref<64x768xf32, #tpu.memory_space<hbm>>
      tpu.wait_dma2 semaphore(%arg8 : memref<!tpu.dma_semaphore, #tpu.memory_space<semaphore_mem>>) src(%arg4 : memref<64x768xf32, #tpu.memory_space<vmem>>) dst(%dma_wait3A_286 : memref<64x768xf32, #tpu.memory_space<hbm>>)
    } else {
    }
    %add3A_150 = arith.constant 32 : i32
    %add3A_151 = arith.addi %add3A, %add3A_150 : i32
    %lt3A_152 = arith.constant 312 : i32
    %lt3A_153 = arith.cmpi slt, %add3A_151, %lt3A_152 : i32
    %add3A_154 = arith.constant 32 : i32
    %add3A_155 = arith.addi %add3A, %add3A_154 : i32
    %add3A_156 = arith.constant 64 : i32
    %add3A_157 = arith.addi %add3A_155, %add3A_156 : i32
    %ge3A_158 = arith.constant 312 : i32
    %ge3A_159 = arith.cmpi sge, %add3A_157, %ge3A_158 : i32
    %and3A_160 = arith.andi %lt3A_153, %ge3A_159 : i1
    %convert_element_type3A_161 = arith.extui %and3A_160 : i1 to i32
    %cond3A_162 = arith.constant 0 : i32
    %cond3A_163 = arith.cmpi ne, %convert_element_type3A_161, %cond3A_162 : i32
    scf.if %cond3A_163 {
      %add3A_280 = arith.constant 32 : i32
      %add3A_281 = arith.addi %add3A, %add3A_280 : i32
      %mul3A_282 = arith.constant 64 : i32
      %mul3A_283 = arith.muli %add3A_281, %mul3A_282 : i32
      %dma_wait3A = arith.constant 0 : i32
      %dma_wait3A_284 = tpu.memref_slice %arg3[%mul3A_283, %dma_wait3A] : memref<20000x768xf32, #tpu.memory_space<hbm>> -> memref<64x768xf32, #tpu.memory_space<hbm>>
      %dma_wait3A_285 = arith.constant 0 : i32
      %dma_wait3A_286 = tpu.memref_slice %arg3[%mul3A_283, %dma_wait3A_285] : memref<20000x768xf32, #tpu.memory_space<hbm>> -> memref<64x768xf32, #tpu.memory_space<hbm>>
      tpu.wait_dma2 semaphore(%arg9 : memref<!tpu.dma_semaphore, #tpu.memory_space<semaphore_mem>>) src(%arg5 : memref<64x768xf32, #tpu.memory_space<vmem>>) dst(%dma_wait3A_286 : memref<64x768xf32, #tpu.memory_space<hbm>>)
    } else {
    }
    %add3A_164 = arith.constant 64 : i32
    %add3A_165 = arith.addi %add3A, %add3A_164 : i32
    %lt3A_166 = arith.constant 312 : i32
    %lt3A_167 = arith.cmpi slt, %add3A_165, %lt3A_166 : i32
    %add3A_168 = arith.constant 64 : i32
    %add3A_169 = arith.addi %add3A, %add3A_168 : i32
    %add3A_170 = arith.constant 64 : i32
    %add3A_171 = arith.addi %add3A_169, %add3A_170 : i32
    %ge3A_172 = arith.constant 312 : i32
    %ge3A_173 = arith.cmpi sge, %add3A_171, %ge3A_172 : i32
    %and3A_174 = arith.andi %lt3A_167, %ge3A_173 : i1
    %convert_element_type3A_175 = arith.extui %and3A_174 : i1 to i32
    %cond3A_176 = arith.constant 0 : i32
    %cond3A_177 = arith.cmpi ne, %convert_element_type3A_175, %cond3A_176 : i32
    scf.if %cond3A_177 {
      %add3A_280 = arith.constant 64 : i32
      %add3A_281 = arith.addi %add3A, %add3A_280 : i32
      %mul3A_282 = arith.constant 64 : i32
      %mul3A_283 = arith.muli %add3A_281, %mul3A_282 : i32
      %dma_wait3A = arith.constant 0 : i32
      %dma_wait3A_284 = tpu.memref_slice %arg3[%mul3A_283, %dma_wait3A] : memref<20000x768xf32, #tpu.memory_space<hbm>> -> memref<64x768xf32, #tpu.memory_space<hbm>>
      %dma_wait3A_285 = arith.constant 0 : i32
      %dma_wait3A_286 = tpu.memref_slice %arg3[%mul3A_283, %dma_wait3A_285] : memref<20000x768xf32, #tpu.memory_space<hbm>> -> memref<64x768xf32, #tpu.memory_space<hbm>>
      tpu.wait_dma2 semaphore(%arg8 : memref<!tpu.dma_semaphore, #tpu.memory_space<semaphore_mem>>) src(%arg4 : memref<64x768xf32, #tpu.memory_space<vmem>>) dst(%dma_wait3A_286 : memref<64x768xf32, #tpu.memory_space<hbm>>)
    } else {
    }
    %add3A_178 = arith.constant 96 : i32
    %add3A_179 = arith.addi %add3A, %add3A_178 : i32
    %lt3A_180 = arith.constant 312 : i32
    %lt3A_181 = arith.cmpi slt, %add3A_179, %lt3A_180 : i32
    %add3A_182 = arith.constant 96 : i32
    %add3A_183 = arith.addi %add3A, %add3A_182 : i32
    %add3A_184 = arith.constant 64 : i32
    %add3A_185 = arith.addi %add3A_183, %add3A_184 : i32
    %ge3A_186 = arith.constant 312 : i32
    %ge3A_187 = arith.cmpi sge, %add3A_185, %ge3A_186 : i32
    %and3A_188 = arith.andi %lt3A_181, %ge3A_187 : i1
    %convert_element_type3A_189 = arith.extui %and3A_188 : i1 to i32
    %cond3A_190 = arith.constant 0 : i32
    %cond3A_191 = arith.cmpi ne, %convert_element_type3A_189, %cond3A_190 : i32
    scf.if %cond3A_191 {
      %add3A_280 = arith.constant 96 : i32
      %add3A_281 = arith.addi %add3A, %add3A_280 : i32
      %mul3A_282 = arith.constant 64 : i32
      %mul3A_283 = arith.muli %add3A_281, %mul3A_282 : i32
      %dma_wait3A = arith.constant 0 : i32
      %dma_wait3A_284 = tpu.memref_slice %arg3[%mul3A_283, %dma_wait3A] : memref<20000x768xf32, #tpu.memory_space<hbm>> -> memref<64x768xf32, #tpu.memory_space<hbm>>
      %dma_wait3A_285 = arith.constant 0 : i32
      %dma_wait3A_286 = tpu.memref_slice %arg3[%mul3A_283, %dma_wait3A_285] : memref<20000x768xf32, #tpu.memory_space<hbm>> -> memref<64x768xf32, #tpu.memory_space<hbm>>
      tpu.wait_dma2 semaphore(%arg9 : memref<!tpu.dma_semaphore, #tpu.memory_space<semaphore_mem>>) src(%arg5 : memref<64x768xf32, #tpu.memory_space<vmem>>) dst(%dma_wait3A_286 : memref<64x768xf32, #tpu.memory_space<hbm>>)
    } else {
    }
    %add3A_192 = arith.constant 128 : i32
    %add3A_193 = arith.addi %add3A, %add3A_192 : i32
    %lt3A_194 = arith.constant 312 : i32
    %lt3A_195 = arith.cmpi slt, %add3A_193, %lt3A_194 : i32
    %add3A_196 = arith.constant 128 : i32
    %add3A_197 = arith.addi %add3A, %add3A_196 : i32
    %add3A_198 = arith.constant 64 : i32
    %add3A_199 = arith.addi %add3A_197, %add3A_198 : i32
    %ge3A_200 = arith.constant 312 : i32
    %ge3A_201 = arith.cmpi sge, %add3A_199, %ge3A_200 : i32
    %and3A_202 = arith.andi %lt3A_195, %ge3A_201 : i1
    %convert_element_type3A_203 = arith.extui %and3A_202 : i1 to i32
    %cond3A_204 = arith.constant 0 : i32
    %cond3A_205 = arith.cmpi ne, %convert_element_type3A_203, %cond3A_204 : i32
    scf.if %cond3A_205 {
      %add3A_280 = arith.constant 128 : i32
      %add3A_281 = arith.addi %add3A, %add3A_280 : i32
      %mul3A_282 = arith.constant 64 : i32
      %mul3A_283 = arith.muli %add3A_281, %mul3A_282 : i32
      %dma_wait3A = arith.constant 0 : i32
      %dma_wait3A_284 = tpu.memref_slice %arg3[%mul3A_283, %dma_wait3A] : memref<20000x768xf32, #tpu.memory_space<hbm>> -> memref<64x768xf32, #tpu.memory_space<hbm>>
      %dma_wait3A_285 = arith.constant 0 : i32
      %dma_wait3A_286 = tpu.memref_slice %arg3[%mul3A_283, %dma_wait3A_285] : memref<20000x768xf32, #tpu.memory_space<hbm>> -> memref<64x768xf32, #tpu.memory_space<hbm>>
      tpu.wait_dma2 semaphore(%arg8 : memref<!tpu.dma_semaphore, #tpu.memory_space<semaphore_mem>>) src(%arg4 : memref<64x768xf32, #tpu.memory_space<vmem>>) dst(%dma_wait3A_286 : memref<64x768xf32, #tpu.memory_space<hbm>>)
    } else {
    }
    %add3A_206 = arith.constant 160 : i32
    %add3A_207 = arith.addi %add3A, %add3A_206 : i32
    %lt3A_208 = arith.constant 312 : i32
    %lt3A_209 = arith.cmpi slt, %add3A_207, %lt3A_208 : i32
    %add3A_210 = arith.constant 160 : i32
    %add3A_211 = arith.addi %add3A, %add3A_210 : i32
    %add3A_212 = arith.constant 64 : i32
    %add3A_213 = arith.addi %add3A_211, %add3A_212 : i32
    %ge3A_214 = arith.constant 312 : i32
    %ge3A_215 = arith.cmpi sge, %add3A_213, %ge3A_214 : i32
    %and3A_216 = arith.andi %lt3A_209, %ge3A_215 : i1
    %convert_element_type3A_217 = arith.extui %and3A_216 : i1 to i32
    %cond3A_218 = arith.constant 0 : i32
    %cond3A_219 = arith.cmpi ne, %convert_element_type3A_217, %cond3A_218 : i32
    scf.if %cond3A_219 {
      %add3A_280 = arith.constant 160 : i32
      %add3A_281 = arith.addi %add3A, %add3A_280 : i32
      %mul3A_282 = arith.constant 64 : i32
      %mul3A_283 = arith.muli %add3A_281, %mul3A_282 : i32
      %dma_wait3A = arith.constant 0 : i32
      %dma_wait3A_284 = tpu.memref_slice %arg3[%mul3A_283, %dma_wait3A] : memref<20000x768xf32, #tpu.memory_space<hbm>> -> memref<64x768xf32, #tpu.memory_space<hbm>>
      %dma_wait3A_285 = arith.constant 0 : i32
      %dma_wait3A_286 = tpu.memref_slice %arg3[%mul3A_283, %dma_wait3A_285] : memref<20000x768xf32, #tpu.memory_space<hbm>> -> memref<64x768xf32, #tpu.memory_space<hbm>>
      tpu.wait_dma2 semaphore(%arg9 : memref<!tpu.dma_semaphore, #tpu.memory_space<semaphore_mem>>) src(%arg5 : memref<64x768xf32, #tpu.memory_space<vmem>>) dst(%dma_wait3A_286 : memref<64x768xf32, #tpu.memory_space<hbm>>)
    } else {
    }
    %add3A_220 = arith.constant 192 : i32
    %add3A_221 = arith.addi %add3A, %add3A_220 : i32
    %lt3A_222 = arith.constant 312 : i32
    %lt3A_223 = arith.cmpi slt, %add3A_221, %lt3A_222 : i32
    %add3A_224 = arith.constant 192 : i32
    %add3A_225 = arith.addi %add3A, %add3A_224 : i32
    %add3A_226 = arith.constant 64 : i32
    %add3A_227 = arith.addi %add3A_225, %add3A_226 : i32
    %ge3A_228 = arith.constant 312 : i32
    %ge3A_229 = arith.cmpi sge, %add3A_227, %ge3A_228 : i32
    %and3A_230 = arith.andi %lt3A_223, %ge3A_229 : i1
    %convert_element_type3A_231 = arith.extui %and3A_230 : i1 to i32
    %cond3A_232 = arith.constant 0 : i32
    %cond3A_233 = arith.cmpi ne, %convert_element_type3A_231, %cond3A_232 : i32
    scf.if %cond3A_233 {
      %add3A_280 = arith.constant 192 : i32
      %add3A_281 = arith.addi %add3A, %add3A_280 : i32
      %mul3A_282 = arith.constant 64 : i32
      %mul3A_283 = arith.muli %add3A_281, %mul3A_282 : i32
      %dma_wait3A = arith.constant 0 : i32
      %dma_wait3A_284 = tpu.memref_slice %arg3[%mul3A_283, %dma_wait3A] : memref<20000x768xf32, #tpu.memory_space<hbm>> -> memref<64x768xf32, #tpu.memory_space<hbm>>
      %dma_wait3A_285 = arith.constant 0 : i32
      %dma_wait3A_286 = tpu.memref_slice %arg3[%mul3A_283, %dma_wait3A_285] : memref<20000x768xf32, #tpu.memory_space<hbm>> -> memref<64x768xf32, #tpu.memory_space<hbm>>
      tpu.wait_dma2 semaphore(%arg8 : memref<!tpu.dma_semaphore, #tpu.memory_space<semaphore_mem>>) src(%arg4 : memref<64x768xf32, #tpu.memory_space<vmem>>) dst(%dma_wait3A_286 : memref<64x768xf32, #tpu.memory_space<hbm>>)
    } else {
    }
    %add3A_234 = arith.constant 224 : i32
    %add3A_235 = arith.addi %add3A, %add3A_234 : i32
    %lt3A_236 = arith.constant 312 : i32
    %lt3A_237 = arith.cmpi slt, %add3A_235, %lt3A_236 : i32
    %add3A_238 = arith.constant 224 : i32
    %add3A_239 = arith.addi %add3A, %add3A_238 : i32
    %add3A_240 = arith.constant 64 : i32
    %add3A_241 = arith.addi %add3A_239, %add3A_240 : i32
    %ge3A_242 = arith.constant 312 : i32
    %ge3A_243 = arith.cmpi sge, %add3A_241, %ge3A_242 : i32
    %and3A_244 = arith.andi %lt3A_237, %ge3A_243 : i1
    %convert_element_type3A_245 = arith.extui %and3A_244 : i1 to i32
    %cond3A_246 = arith.constant 0 : i32
    %cond3A_247 = arith.cmpi ne, %convert_element_type3A_245, %cond3A_246 : i32
    scf.if %cond3A_247 {
      %add3A_280 = arith.constant 224 : i32
      %add3A_281 = arith.addi %add3A, %add3A_280 : i32
      %mul3A_282 = arith.constant 64 : i32
      %mul3A_283 = arith.muli %add3A_281, %mul3A_282 : i32
      %dma_wait3A = arith.constant 0 : i32
      %dma_wait3A_284 = tpu.memref_slice %arg3[%mul3A_283, %dma_wait3A] : memref<20000x768xf32, #tpu.memory_space<hbm>> -> memref<64x768xf32, #tpu.memory_space<hbm>>
      %dma_wait3A_285 = arith.constant 0 : i32
      %dma_wait3A_286 = tpu.memref_slice %arg3[%mul3A_283, %dma_wait3A_285] : memref<20000x768xf32, #tpu.memory_space<hbm>> -> memref<64x768xf32, #tpu.memory_space<hbm>>
      tpu.wait_dma2 semaphore(%arg9 : memref<!tpu.dma_semaphore, #tpu.memory_space<semaphore_mem>>) src(%arg5 : memref<64x768xf32, #tpu.memory_space<vmem>>) dst(%dma_wait3A_286 : memref<64x768xf32, #tpu.memory_space<hbm>>)
    } else {
    }
    %add3A_248 = arith.constant 256 : i32
    %add3A_249 = arith.addi %add3A, %add3A_248 : i32
    %lt3A_250 = arith.constant 312 : i32
    %lt3A_251 = arith.cmpi slt, %add3A_249, %lt3A_250 : i32
    %add3A_252 = arith.constant 256 : i32
    %add3A_253 = arith.addi %add3A, %add3A_252 : i32
    %add3A_254 = arith.constant 64 : i32
    %add3A_255 = arith.addi %add3A_253, %add3A_254 : i32
    %ge3A_256 = arith.constant 312 : i32
    %ge3A_257 = arith.cmpi sge, %add3A_255, %ge3A_256 : i32
    %and3A_258 = arith.andi %lt3A_251, %ge3A_257 : i1
    %convert_element_type3A_259 = arith.extui %and3A_258 : i1 to i32
    %cond3A_260 = arith.constant 0 : i32
    %cond3A_261 = arith.cmpi ne, %convert_element_type3A_259, %cond3A_260 : i32
    scf.if %cond3A_261 {
      %add3A_280 = arith.constant 256 : i32
      %add3A_281 = arith.addi %add3A, %add3A_280 : i32
      %mul3A_282 = arith.constant 64 : i32
      %mul3A_283 = arith.muli %add3A_281, %mul3A_282 : i32
      %dma_wait3A = arith.constant 0 : i32
      %dma_wait3A_284 = tpu.memref_slice %arg3[%mul3A_283, %dma_wait3A] : memref<20000x768xf32, #tpu.memory_space<hbm>> -> memref<64x768xf32, #tpu.memory_space<hbm>>
      %dma_wait3A_285 = arith.constant 0 : i32
      %dma_wait3A_286 = tpu.memref_slice %arg3[%mul3A_283, %dma_wait3A_285] : memref<20000x768xf32, #tpu.memory_space<hbm>> -> memref<64x768xf32, #tpu.memory_space<hbm>>
      tpu.wait_dma2 semaphore(%arg8 : memref<!tpu.dma_semaphore, #tpu.memory_space<semaphore_mem>>) src(%arg4 : memref<64x768xf32, #tpu.memory_space<vmem>>) dst(%dma_wait3A_286 : memref<64x768xf32, #tpu.memory_space<hbm>>)
    } else {
    }
    %add3A_262 = arith.constant 288 : i32
    %add3A_263 = arith.addi %add3A, %add3A_262 : i32
    %lt3A_264 = arith.constant 312 : i32
    %lt3A_265 = arith.cmpi slt, %add3A_263, %lt3A_264 : i32
    %add3A_266 = arith.constant 288 : i32
    %add3A_267 = arith.addi %add3A, %add3A_266 : i32
    %add3A_268 = arith.constant 64 : i32
    %add3A_269 = arith.addi %add3A_267, %add3A_268 : i32
    %ge3A_270 = arith.constant 312 : i32
    %ge3A_271 = arith.cmpi sge, %add3A_269, %ge3A_270 : i32
    %and3A_272 = arith.andi %lt3A_265, %ge3A_271 : i1
    %convert_element_type3A_273 = arith.extui %and3A_272 : i1 to i32
    %cond3A_274 = arith.constant 0 : i32
    %cond3A_275 = arith.cmpi ne, %convert_element_type3A_273, %cond3A_274 : i32
    scf.if %cond3A_275 {
      %add3A_280 = arith.constant 288 : i32
      %add3A_281 = arith.addi %add3A, %add3A_280 : i32
      %mul3A_282 = arith.constant 64 : i32
      %mul3A_283 = arith.muli %add3A_281, %mul3A_282 : i32
      %dma_wait3A = arith.constant 0 : i32
      %dma_wait3A_284 = tpu.memref_slice %arg3[%mul3A_283, %dma_wait3A] : memref<20000x768xf32, #tpu.memory_space<hbm>> -> memref<64x768xf32, #tpu.memory_space<hbm>>
      %dma_wait3A_285 = arith.constant 0 : i32
      %dma_wait3A_286 = tpu.memref_slice %arg3[%mul3A_283, %dma_wait3A_285] : memref<20000x768xf32, #tpu.memory_space<hbm>> -> memref<64x768xf32, #tpu.memory_space<hbm>>
      tpu.wait_dma2 semaphore(%arg9 : memref<!tpu.dma_semaphore, #tpu.memory_space<semaphore_mem>>) src(%arg5 : memref<64x768xf32, #tpu.memory_space<vmem>>) dst(%dma_wait3A_286 : memref<64x768xf32, #tpu.memory_space<hbm>>)
    } else {
    }
    %eq3A = arith.constant 24 : i32
    %eq3A_276 = arith.cmpi eq, %add3A, %eq3A : i32
    %convert_element_type3A_277 = arith.extui %eq3A_276 : i1 to i32
    %cond3A_278 = arith.constant 0 : i32
    %cond3A_279 = arith.cmpi ne, %convert_element_type3A_277, %cond3A_278 : i32
    scf.if %cond3A_279 {
      "tpu.region"() ({
        %run_scoped3A = tpu.sem_alloc : memref<!tpu.dma_semaphore, #tpu.memory_space<semaphore_mem>>
        %dma_start3A = arith.constant 0 : i32
        %dma_start3A_280 = arith.constant 0 : i32
        %dma_start3A_281 = tpu.memref_slice %arg4[%dma_start3A, %dma_start3A_280] : memref<64x768xf32, #tpu.memory_space<vmem>> -> memref<32x768xf32, #tpu.memory_space<vmem>>
        %dma_start3A_282 = arith.constant 19968 : i32
        %dma_start3A_283 = arith.constant 0 : i32
        %dma_start3A_284 = tpu.memref_slice %arg2[%dma_start3A_282, %dma_start3A_283] : memref<20000x768xf32, #tpu.memory_space<hbm>> -> memref<32x768xf32, #tpu.memory_space<hbm>>
        %dma_start3A_285 = arith.constant 0 : i32
        %dma_start3A_286 = arith.constant 0 : i32
        %dma_start3A_287 = tpu.memref_slice %arg4[%dma_start3A_285, %dma_start3A_286] : memref<64x768xf32, #tpu.memory_space<vmem>> -> memref<32x768xf32, #tpu.memory_space<vmem>>
        %dma_start3A_288 = arith.constant 19968 : i32
        %dma_start3A_289 = arith.constant 0 : i32
        %dma_start3A_290 = tpu.memref_slice %arg2[%dma_start3A_288, %dma_start3A_289] : memref<20000x768xf32, #tpu.memory_space<hbm>> -> memref<32x768xf32, #tpu.memory_space<hbm>>
        tpu.enqueue_dma source(%dma_start3A_290 : memref<32x768xf32, #tpu.memory_space<hbm>>) target(%dma_start3A_287 : memref<32x768xf32, #tpu.memory_space<vmem>>) target_semaphore(%run_scoped3A : memref<!tpu.dma_semaphore, #tpu.memory_space<semaphore_mem>>)
        %dma_wait3A = arith.constant 0 : i32
        %dma_wait3A_291 = arith.constant 0 : i32
        %dma_wait3A_292 = tpu.memref_slice %arg4[%dma_wait3A, %dma_wait3A_291] : memref<64x768xf32, #tpu.memory_space<vmem>> -> memref<32x768xf32, #tpu.memory_space<vmem>>
        %dma_wait3A_293 = arith.constant 19968 : i32
        %dma_wait3A_294 = arith.constant 0 : i32
        %dma_wait3A_295 = tpu.memref_slice %arg2[%dma_wait3A_293, %dma_wait3A_294] : memref<20000x768xf32, #tpu.memory_space<hbm>> -> memref<32x768xf32, #tpu.memory_space<hbm>>
        %dma_wait3A_296 = arith.constant 0 : i32
        %dma_wait3A_297 = arith.constant 0 : i32
        %dma_wait3A_298 = tpu.memref_slice %arg4[%dma_wait3A_296, %dma_wait3A_297] : memref<64x768xf32, #tpu.memory_space<vmem>> -> memref<32x768xf32, #tpu.memory_space<vmem>>
        %dma_wait3A_299 = arith.constant 19968 : i32
        %dma_wait3A_300 = arith.constant 0 : i32
        %dma_wait3A_301 = tpu.memref_slice %arg2[%dma_wait3A_299, %dma_wait3A_300] : memref<20000x768xf32, #tpu.memory_space<hbm>> -> memref<32x768xf32, #tpu.memory_space<hbm>>
        tpu.wait_dma2 semaphore(%run_scoped3A : memref<!tpu.dma_semaphore, #tpu.memory_space<semaphore_mem>>) src(%dma_wait3A_301 : memref<32x768xf32, #tpu.memory_space<hbm>>) dst(%dma_wait3A_298 : memref<32x768xf32, #tpu.memory_space<vmem>>)
        tpu.yield
      }) : () -> ()
      "tpu.region"() ({
        %run_scoped3A = tpu.sem_alloc : memref<!tpu.dma_semaphore, #tpu.memory_space<semaphore_mem>>
        %dma_start3A = arith.constant 0 : i32
        %dma_start3A_280 = arith.constant 0 : i32
        %dma_start3A_281 = tpu.memref_slice %arg4[%dma_start3A, %dma_start3A_280] : memref<64x768xf32, #tpu.memory_space<vmem>> -> memref<32x768xf32, #tpu.memory_space<vmem>>
        %dma_start3A_282 = arith.constant 19968 : i32
        %dma_start3A_283 = arith.constant 0 : i32
        %dma_start3A_284 = tpu.memref_slice %arg3[%dma_start3A_282, %dma_start3A_283] : memref<20000x768xf32, #tpu.memory_space<hbm>> -> memref<32x768xf32, #tpu.memory_space<hbm>>
        %dma_start3A_285 = arith.constant 19968 : i32
        %dma_start3A_286 = arith.constant 0 : i32
        %dma_start3A_287 = tpu.memref_slice %arg3[%dma_start3A_285, %dma_start3A_286] : memref<20000x768xf32, #tpu.memory_space<hbm>> -> memref<32x768xf32, #tpu.memory_space<hbm>>
        %dma_start3A_288 = arith.constant 0 : i32
        %dma_start3A_289 = arith.constant 0 : i32
        %dma_start3A_290 = tpu.memref_slice %arg4[%dma_start3A_288, %dma_start3A_289] : memref<64x768xf32, #tpu.memory_space<vmem>> -> memref<32x768xf32, #tpu.memory_space<vmem>>
        tpu.enqueue_dma source(%dma_start3A_290 : memref<32x768xf32, #tpu.memory_space<vmem>>) target(%dma_start3A_287 : memref<32x768xf32, #tpu.memory_space<hbm>>) target_semaphore(%run_scoped3A : memref<!tpu.dma_semaphore, #tpu.memory_space<semaphore_mem>>)
        %dma_wait3A = arith.constant 0 : i32
        %dma_wait3A_291 = arith.constant 0 : i32
        %dma_wait3A_292 = tpu.memref_slice %arg4[%dma_wait3A, %dma_wait3A_291] : memref<64x768xf32, #tpu.memory_space<vmem>> -> memref<32x768xf32, #tpu.memory_space<vmem>>
        %dma_wait3A_293 = arith.constant 19968 : i32
        %dma_wait3A_294 = arith.constant 0 : i32
        %dma_wait3A_295 = tpu.memref_slice %arg3[%dma_wait3A_293, %dma_wait3A_294] : memref<20000x768xf32, #tpu.memory_space<hbm>> -> memref<32x768xf32, #tpu.memory_space<hbm>>
        %dma_wait3A_296 = arith.constant 19968 : i32
        %dma_wait3A_297 = arith.constant 0 : i32
        %dma_wait3A_298 = tpu.memref_slice %arg3[%dma_wait3A_296, %dma_wait3A_297] : memref<20000x768xf32, #tpu.memory_space<hbm>> -> memref<32x768xf32, #tpu.memory_space<hbm>>
        %dma_wait3A_299 = arith.constant 0 : i32
        %dma_wait3A_300 = arith.constant 0 : i32
        %dma_wait3A_301 = tpu.memref_slice %arg4[%dma_wait3A_299, %dma_wait3A_300] : memref<64x768xf32, #tpu.memory_space<vmem>> -> memref<32x768xf32, #tpu.memory_space<vmem>>
        tpu.wait_dma2 semaphore(%run_scoped3A : memref<!tpu.dma_semaphore, #tpu.memory_space<semaphore_mem>>) src(%dma_wait3A_301 : memref<32x768xf32, #tpu.memory_space<vmem>>) dst(%dma_wait3A_298 : memref<32x768xf32, #tpu.memory_space<hbm>>)
        tpu.yield
      }) : () -> ()
    } else {
    }
    return
  }
}

#map = affine_map<(d0, d1) -> (0, 0)>
#map1 = affine_map<(d0, d1) -> (0)>
module attributes {stable_mosaic.version = 14 : i64} {
  func.func @new_body(%arg0: i32, %arg1: i32, %arg2: memref<128x768xf32, #tpu.memory_space<hbm>>, %arg3: memref<128xi32, #tpu.memory_space<hbm>>, %arg4: memref<16xi32, #tpu.memory_space<hbm>>, %arg5: memref<20000x768xf32, #tpu.memory_space<hbm>>, %arg6: memref<20000x768xf32, #tpu.memory_space<hbm>>, %arg7: memref<8x768xf32, #tpu.memory_space<vmem>>, %arg8: memref<144xi32, #tpu.memory_space<vmem>>, %arg9: memref<16xi32, #tpu.memory_space<vmem>>, %arg10: memref<128x768xf32, #tpu.memory_space<vmem_shared>>) attributes {dimension_semantics = [#tpu.dimension_semantics<core_parallel>, #tpu.dimension_semantics<subcore_parallel>], iteration_bounds = array<i64: 2, 16>, scalar_prefetch = 0 : i64, scratch_operands = 4 : i64, tpu.core_type = #tpu.core_type<sc_vector_subcore>, window_params = [{transform_indices = #map}, {transform_indices = #map1}, {transform_indices = #map1}, {transform_indices = #map}, {transform_indices = #map}]} {
    %mul3A = arith.constant 2 : i32
    %mul3A_0 = arith.muli %arg1, %mul3A : i32
    %add3A = arith.addi %mul3A_0, %arg0 : i32
    %eq3A = arith.constant 0 : i32
    %eq3A_1 = arith.cmpi eq, %arg1, %eq3A : i32
    %convert_element_type3A = arith.extui %eq3A_1 : i1 to i32
    %cond3A = arith.constant 0 : i32
    %cond3A_2 = arith.cmpi ne, %convert_element_type3A, %cond3A : i32
    scf.if %cond3A_2 {
      "tpu.region"() ({
        %run_scoped3A = tpu.sem_alloc : memref<!tpu.dma_semaphore, #tpu.memory_space<semaphore_mem>>
        tpu.enqueue_dma source(%arg2 : memref<128x768xf32, #tpu.memory_space<hbm>>) target(%arg10 : memref<128x768xf32, #tpu.memory_space<vmem_shared>>) target_semaphore(%run_scoped3A : memref<!tpu.dma_semaphore, #tpu.memory_space<semaphore_mem>>)
        tpu.wait_dma2 semaphore(%run_scoped3A : memref<!tpu.dma_semaphore, #tpu.memory_space<semaphore_mem>>) src(%arg2 : memref<128x768xf32, #tpu.memory_space<hbm>>) dst(%arg10 : memref<128x768xf32, #tpu.memory_space<vmem_shared>>)
        tpu.yield
      }) : () -> ()
    } else {
    }
    "tpu.region"() ({
      %run_scoped3A = tpu.sem_alloc : memref<!tpu.dma_semaphore, #tpu.memory_space<semaphore_mem>>
      %dma_start3A = arith.constant 0 : i32
      %dma_start3A_10 = tpu.memref_slice %arg8[%dma_start3A] : memref<144xi32, #tpu.memory_space<vmem>> -> memref<128xi32, #tpu.memory_space<vmem>>
      %dma_start3A_11 = arith.constant 0 : i32
      %dma_start3A_12 = tpu.memref_slice %arg8[%dma_start3A_11] : memref<144xi32, #tpu.memory_space<vmem>> -> memref<128xi32, #tpu.memory_space<vmem>>
      tpu.enqueue_dma source(%arg3 : memref<128xi32, #tpu.memory_space<hbm>>) target(%dma_start3A_12 : memref<128xi32, #tpu.memory_space<vmem>>) target_semaphore(%run_scoped3A : memref<!tpu.dma_semaphore, #tpu.memory_space<semaphore_mem>>)
      %dma_wait3A = arith.constant 0 : i32
      %dma_wait3A_13 = tpu.memref_slice %arg8[%dma_wait3A] : memref<144xi32, #tpu.memory_space<vmem>> -> memref<128xi32, #tpu.memory_space<vmem>>
      %dma_wait3A_14 = arith.constant 0 : i32
      %dma_wait3A_15 = tpu.memref_slice %arg8[%dma_wait3A_14] : memref<144xi32, #tpu.memory_space<vmem>> -> memref<128xi32, #tpu.memory_space<vmem>>
      tpu.wait_dma2 semaphore(%run_scoped3A : memref<!tpu.dma_semaphore, #tpu.memory_space<semaphore_mem>>) src(%arg3 : memref<128xi32, #tpu.memory_space<hbm>>) dst(%dma_wait3A_15 : memref<128xi32, #tpu.memory_space<vmem>>)
      tpu.yield
    }) : () -> ()
    "tpu.region"() ({
      %run_scoped3A = tpu.sem_alloc : memref<!tpu.dma_semaphore, #tpu.memory_space<semaphore_mem>>
      tpu.enqueue_dma source(%arg4 : memref<16xi32, #tpu.memory_space<hbm>>) target(%arg9 : memref<16xi32, #tpu.memory_space<vmem>>) target_semaphore(%run_scoped3A : memref<!tpu.dma_semaphore, #tpu.memory_space<semaphore_mem>>)
      tpu.wait_dma2 semaphore(%run_scoped3A : memref<!tpu.dma_semaphore, #tpu.memory_space<semaphore_mem>>) src(%arg4 : memref<16xi32, #tpu.memory_space<hbm>>) dst(%arg9 : memref<16xi32, #tpu.memory_space<vmem>>)
      tpu.yield
    }) : () -> ()
    %get3A = arith.constant 0 : index
    %get3A_3 = tpu.vector_load %arg9[%get3A] {strides = array<i32>} : memref<16xi32, #tpu.memory_space<vmem>>, vector<16xi32>,
    %get3A_4 = vector.shape_cast %get3A_3 : vector<16xi32> to vector<16xi32>
    %slice3A = vector.extract_strided_slice %get3A_4 {offsets = [0], sizes = [1], strides = [1]} : vector<16xi32> to vector<1xi32>
    %squeeze3A = vector.extract %slice3A[0] : i32 from vector<1xi32>
    %barrier3A = arith.constant 0 : index
    tpu.barrier barrier_id(%barrier3A)
    %scan3A = arith.constant 0 : i32
    %scan3A_5 = arith.constant 0 : i32
    %scan3A_6 = arith.constant 128 : i32
    %scan3A_7 = arith.addi %scan3A_5, %scan3A_6 : i32
    %scan3A_8 = arith.constant 1 : i32
    scf.for %scan3A_10 = %scan3A_5 to %scan3A_7 step %scan3A_8  : i32 {
      %get3A_11 = arith.index_cast %scan3A_10 : i32 to index
      %get3A_12 = tpu.vector_load %arg8[%get3A_11] {strides = array<i32>} : memref<144xi32, #tpu.memory_space<vmem>>, vector<16xi32>,
      %get3A_13 = vector.shape_cast %get3A_12 : vector<16xi32> to vector<16xi32>
      %slice3A_14 = vector.extract_strided_slice %get3A_13 {offsets = [0], sizes = [1], strides = [1]} : vector<16xi32> to vector<1xi32>
      %squeeze3A_15 = vector.extract %slice3A_14[0] : i32 from vector<1xi32>
      %shift_right_arithmetic3A = arith.constant 3 : i32
      %shift_right_arithmetic3A_16 = arith.shrsi %squeeze3A_15, %shift_right_arithmetic3A : i32
      %and3A = arith.constant 31 : i32
      %and3A_17 = arith.andi %shift_right_arithmetic3A_16, %and3A : i32
      %eq3A_18 = arith.cmpi eq, %and3A_17, %add3A : i32
      %lt3A = arith.cmpi slt, %scan3A_10, %squeeze3A : i32
      %and3A_19 = arith.andi %eq3A_18, %lt3A : i1
      %convert_element_type3A_20 = arith.extui %and3A_19 : i1 to i32
      %cond3A_21 = arith.constant 0 : i32
      %cond3A_22 = arith.cmpi ne, %convert_element_type3A_20, %cond3A_21 : i32
      scf.if %cond3A_22 {
        %shift_right_arithmetic3A_23 = arith.constant 3 : i32
        %shift_right_arithmetic3A_24 = arith.shrsi %squeeze3A_15, %shift_right_arithmetic3A_23 : i32
        %shift_left3A = arith.constant 3 : i32
        %shift_left3A_25 = arith.shli %shift_right_arithmetic3A_24, %shift_left3A : i32
        %multiple_of3A = tpu.assume_multiple %shift_left3A_25, 8 : i32
        "tpu.region"() ({
          %run_scoped3A = tpu.sem_alloc : memref<!tpu.dma_semaphore, #tpu.memory_space<semaphore_mem>>
          %dma_start3A = arith.constant 0 : i32
          %dma_start3A_26 = tpu.memref_slice %arg5[%multiple_of3A, %dma_start3A] : memref<20000x768xf32, #tpu.memory_space<hbm>> -> memref<8x768xf32, #tpu.memory_space<hbm>>
          %dma_start3A_27 = arith.constant 0 : i32
          %dma_start3A_28 = tpu.memref_slice %arg5[%multiple_of3A, %dma_start3A_27] : memref<20000x768xf32, #tpu.memory_space<hbm>> -> memref<8x768xf32, #tpu.memory_space<hbm>>
          tpu.enqueue_dma source(%dma_start3A_28 : memref<8x768xf32, #tpu.memory_space<hbm>>) target(%arg7 : memref<8x768xf32, #tpu.memory_space<vmem>>) target_semaphore(%run_scoped3A : memref<!tpu.dma_semaphore, #tpu.memory_space<semaphore_mem>>)
          %dma_wait3A = arith.constant 0 : i32
          %dma_wait3A_29 = tpu.memref_slice %arg5[%multiple_of3A, %dma_wait3A] : memref<20000x768xf32, #tpu.memory_space<hbm>> -> memref<8x768xf32, #tpu.memory_space<hbm>>
          %dma_wait3A_30 = arith.constant 0 : i32
          %dma_wait3A_31 = tpu.memref_slice %arg5[%multiple_of3A, %dma_wait3A_30] : memref<20000x768xf32, #tpu.memory_space<hbm>> -> memref<8x768xf32, #tpu.memory_space<hbm>>
          tpu.wait_dma2 semaphore(%run_scoped3A : memref<!tpu.dma_semaphore, #tpu.memory_space<semaphore_mem>>) src(%dma_wait3A_31 : memref<8x768xf32, #tpu.memory_space<hbm>>) dst(%arg7 : memref<8x768xf32, #tpu.memory_space<vmem>>)
          tpu.yield
        }) : () -> ()
        %sub3A = arith.subi %squeeze3A_15, %multiple_of3A : i32
        "tpu.region"() ({
          %run_scoped3A = tpu.sem_alloc : memref<!tpu.dma_semaphore, #tpu.memory_space<semaphore_mem>>
          %dma_start3A = arith.constant 0 : i32
          %dma_start3A_26 = tpu.memref_slice %arg7[%sub3A, %dma_start3A] : memref<8x768xf32, #tpu.memory_space<vmem>> -> memref<1x768xf32, #tpu.memory_space<vmem>>
          %dma_start3A_27 = arith.constant 0 : i32
          %dma_start3A_28 = tpu.memref_slice %arg10[%scan3A_10, %dma_start3A_27] : memref<128x768xf32, #tpu.memory_space<vmem_shared>> -> memref<1x768xf32, #tpu.memory_space<vmem_shared>>
          %dma_start3A_29 = arith.constant 0 : i32
          %dma_start3A_30 = tpu.memref_slice %arg7[%sub3A, %dma_start3A_29] : memref<8x768xf32, #tpu.memory_space<vmem>> -> memref<1x768xf32, #tpu.memory_space<vmem>>
          %dma_start3A_31 = arith.constant 0 : i32
          %dma_start3A_32 = tpu.memref_slice %arg10[%scan3A_10, %dma_start3A_31] : memref<128x768xf32, #tpu.memory_space<vmem_shared>> -> memref<1x768xf32, #tpu.memory_space<vmem_shared>>
          tpu.enqueue_dma source(%dma_start3A_32 : memref<1x768xf32, #tpu.memory_space<vmem_shared>>) target(%dma_start3A_30 : memref<1x768xf32, #tpu.memory_space<vmem>>) target_semaphore(%run_scoped3A : memref<!tpu.dma_semaphore, #tpu.memory_space<semaphore_mem>>)
          %dma_wait3A = arith.constant 0 : i32
          %dma_wait3A_33 = tpu.memref_slice %arg7[%sub3A, %dma_wait3A] : memref<8x768xf32, #tpu.memory_space<vmem>> -> memref<1x768xf32, #tpu.memory_space<vmem>>
          %dma_wait3A_34 = arith.constant 0 : i32
          %dma_wait3A_35 = tpu.memref_slice %arg10[%scan3A_10, %dma_wait3A_34] : memref<128x768xf32, #tpu.memory_space<vmem_shared>> -> memref<1x768xf32, #tpu.memory_space<vmem_shared>>
          %dma_wait3A_36 = arith.constant 0 : i32
          %dma_wait3A_37 = tpu.memref_slice %arg7[%sub3A, %dma_wait3A_36] : memref<8x768xf32, #tpu.memory_space<vmem>> -> memref<1x768xf32, #tpu.memory_space<vmem>>
          %dma_wait3A_38 = arith.constant 0 : i32
          %dma_wait3A_39 = tpu.memref_slice %arg10[%scan3A_10, %dma_wait3A_38] : memref<128x768xf32, #tpu.memory_space<vmem_shared>> -> memref<1x768xf32, #tpu.memory_space<vmem_shared>>
          tpu.wait_dma2 semaphore(%run_scoped3A : memref<!tpu.dma_semaphore, #tpu.memory_space<semaphore_mem>>) src(%dma_wait3A_39 : memref<1x768xf32, #tpu.memory_space<vmem_shared>>) dst(%dma_wait3A_37 : memref<1x768xf32, #tpu.memory_space<vmem>>)
          tpu.yield
        }) : () -> ()
        "tpu.region"() ({
          %run_scoped3A = tpu.sem_alloc : memref<!tpu.dma_semaphore, #tpu.memory_space<semaphore_mem>>
          %dma_start3A = arith.constant 0 : i32
          %dma_start3A_26 = tpu.memref_slice %arg5[%multiple_of3A, %dma_start3A] : memref<20000x768xf32, #tpu.memory_space<hbm>> -> memref<8x768xf32, #tpu.memory_space<hbm>>
          %dma_start3A_27 = arith.constant 0 : i32
          %dma_start3A_28 = tpu.memref_slice %arg5[%multiple_of3A, %dma_start3A_27] : memref<20000x768xf32, #tpu.memory_space<hbm>> -> memref<8x768xf32, #tpu.memory_space<hbm>>
          tpu.enqueue_dma source(%arg7 : memref<8x768xf32, #tpu.memory_space<vmem>>) target(%dma_start3A_28 : memref<8x768xf32, #tpu.memory_space<hbm>>) target_semaphore(%run_scoped3A : memref<!tpu.dma_semaphore, #tpu.memory_space<semaphore_mem>>)
          %dma_wait3A = arith.constant 0 : i32
          %dma_wait3A_29 = tpu.memref_slice %arg5[%multiple_of3A, %dma_wait3A] : memref<20000x768xf32, #tpu.memory_space<hbm>> -> memref<8x768xf32, #tpu.memory_space<hbm>>
          %dma_wait3A_30 = arith.constant 0 : i32
          %dma_wait3A_31 = tpu.memref_slice %arg5[%multiple_of3A, %dma_wait3A_30] : memref<20000x768xf32, #tpu.memory_space<hbm>> -> memref<8x768xf32, #tpu.memory_space<hbm>>
          tpu.wait_dma2 semaphore(%run_scoped3A : memref<!tpu.dma_semaphore, #tpu.memory_space<semaphore_mem>>) src(%arg7 : memref<8x768xf32, #tpu.memory_space<vmem>>) dst(%dma_wait3A_31 : memref<8x768xf32, #tpu.memory_space<hbm>>)
          tpu.yield
        }) : () -> ()
      } else {
      }
    }
    %scan3A_9 = arith.constant 128 : i32
    return
  }
}

module attributes {stable_mosaic.version = 14 : i64} {
  func.func @_coref_body(%arg0: memref<128x768xf32, #tpu.memory_space<vmem>>, %arg1: memref<128x1xi32, #tpu.memory_space<vmem>>, %arg2: memref<1x128xi32, #tpu.memory_space<vmem>>, %arg3: memref<128x128xf32, #tpu.memory_space<vmem>>, %arg4: memref<128x1xf32, #tpu.memory_space<vmem>>, %arg5: memref<1x128xf32, #tpu.memory_space<vmem>>, %arg6: memref<128x1xi32, #tpu.memory_space<vmem>>, %arg7: memref<1x128xi32, #tpu.memory_space<vmem>>, %arg8: memref<1x128xi32, #tpu.memory_space<vmem>>, %arg9: memref<768x150xf32, #tpu.memory_space<vmem>>, %arg10: memref<768x150xf32, #tpu.memory_space<vmem>>, %arg11: memref<768x150xf32, #tpu.memory_space<vmem>>, %arg12: memref<16x20xf32, #tpu.memory_space<vmem>>, %arg13: memref<20x150xf32, #tpu.memory_space<vmem>>, %arg14: memref<1x150xf32, #tpu.memory_space<vmem>>, %arg15: memref<1x150xf32, #tpu.memory_space<vmem>>, %arg16: memref<1x1xf32, #tpu.memory_space<vmem>>, %arg17: memref<1536x768xf32, #tpu.memory_space<vmem>>, %arg18: memref<1x768xf32, #tpu.memory_space<vmem>>, %arg19: memref<128x768xf32, #tpu.memory_space<vmem>>, %arg20: memref<128x128xf32, #tpu.memory_space<vmem>>, %arg21: memref<128x768xf32, #tpu.memory_space<vmem>>, %arg22: memref<128x768xbf16, #tpu.memory_space<vmem>>, %arg23: memref<128x150xbf16, #tpu.memory_space<vmem>>, %arg24: memref<128x150xbf16, #tpu.memory_space<vmem>>, %arg25: memref<128x128xf32, #tpu.memory_space<vmem>>, %arg26: memref<128x128xi32, #tpu.memory_space<vmem>>, %arg27: memref<16384x150xbf16, #tpu.memory_space<vmem>>, %arg28: memref<768x150xbf16, #tpu.memory_space<vmem>>) attributes {dimension_semantics = [], scalar_prefetch = 0 : i64, scratch_operands = 7 : i64, tpu.core_type = #tpu.core_type<tc>} {
    %get3A = arith.constant 0 : index
    %get3A_0 = arith.constant 0 : index
    %get3A_1 = vector.load %arg1[%get3A, %get3A_0] : memref<128x1xi32, #tpu.memory_space<vmem>>, vector<128x1xi32>
    %get3A_2 = arith.constant 0 : index
    %get3A_3 = arith.constant 0 : index
    %get3A_4 = vector.load %arg2[%get3A_2, %get3A_3] : memref<1x128xi32, #tpu.memory_space<vmem>>, vector<1x128xi32>
    %sub3A = vector.broadcast %get3A_1 : vector<128x1xi32> to vector<128x128xi32>
    %sub3A_5 = vector.broadcast %get3A_4 : vector<1x128xi32> to vector<128x128xi32>
    %sub3A_6 = arith.subi %sub3A, %sub3A_5 : vector<128x128xi32>
    %max3A = arith.constant 0 : i32
    %max3A_7 = vector.broadcast %max3A : i32 to vector<128x128xi32>
    %max3A_8 = arith.maxsi %sub3A_6, %max3A_7 : vector<128x128xi32>
    %ge3A = arith.constant 8 : i32
    %ge3A_9 = vector.broadcast %ge3A : i32 to vector<128x128xi32>
    %ge3A_10 = arith.cmpi sge, %max3A_8, %ge3A_9 : vector<128x128xi32>
    %convert_element_type3A = arith.extui %ge3A_10 : vector<128x128xi1> to vector<128x128xi32>
    %add3A = arith.constant 5 : i32
    %add3A_11 = vector.broadcast %add3A : i32 to vector<128x128xi32>
    %add3A_12 = arith.addi %add3A_11, %convert_element_type3A : vector<128x128xi32>
    %ge3A_13 = arith.constant 16 : i32
    %ge3A_14 = vector.broadcast %ge3A_13 : i32 to vector<128x128xi32>
    %ge3A_15 = arith.cmpi sge, %max3A_8, %ge3A_14 : vector<128x128xi32>
    %convert_element_type3A_16 = arith.extui %ge3A_15 : vector<128x128xi1> to vector<128x128xi32>
    %add3A_17 = arith.addi %add3A_12, %convert_element_type3A_16 : vector<128x128xi32>
    %ge3A_18 = arith.constant 32 : i32
    %ge3A_19 = vector.broadcast %ge3A_18 : i32 to vector<128x128xi32>
    %ge3A_20 = arith.cmpi sge, %max3A_8, %ge3A_19 : vector<128x128xi32>
    %convert_element_type3A_21 = arith.extui %ge3A_20 : vector<128x128xi1> to vector<128x128xi32>
    %add3A_22 = arith.addi %add3A_17, %convert_element_type3A_21 : vector<128x128xi32>
    %ge3A_23 = arith.constant 64 : i32
    %ge3A_24 = vector.broadcast %ge3A_23 : i32 to vector<128x128xi32>
    %ge3A_25 = arith.cmpi sge, %max3A_8, %ge3A_24 : vector<128x128xi32>
    %convert_element_type3A_26 = arith.extui %ge3A_25 : vector<128x128xi1> to vector<128x128xi32>
    %add3A_27 = arith.addi %add3A_22, %convert_element_type3A_26 : vector<128x128xi32>
    %le3A = arith.constant 4 : i32
    %le3A_28 = vector.broadcast %le3A : i32 to vector<128x128xi32>
    %le3A_29 = arith.cmpi sle, %max3A_8, %le3A_28 : vector<128x128xi32>
    %select_n3A = arith.select %le3A_29, %max3A_8, %add3A_27 : vector<128x128xi1>, vector<128x128xi32>
    %swap3A = arith.constant 0 : index
    %swap3A_30 = arith.constant 0 : index
    %swap3A_31 = vector.load %arg26[%swap3A, %swap3A_30] : memref<128x128xi32, #tpu.memory_space<vmem>>, vector<128x128xi32>
    tpu.vector_store %arg26[%swap3A, %swap3A_30], %select_n3A {strides = array<i32>} : memref<128x128xi32, #tpu.memory_space<vmem>>, vector<128x128xi32>,
    %get3A_32 = arith.constant 0 : index
    %get3A_33 = arith.constant 0 : index
    %get3A_34 = vector.load %arg12[%get3A_32, %get3A_33] : memref<16x20xf32, #tpu.memory_space<vmem>>, vector<16x20xf32>
    %get3A_35 = arith.constant 0 : index
    %get3A_36 = arith.constant 0 : index
    %get3A_37 = vector.load %arg13[%get3A_35, %get3A_36] : memref<20x150xf32, #tpu.memory_space<vmem>>, vector<20x150xf32>
    %dot_general3A = arith.constant dense<0.000000e+00> : vector<16x150xf32>
    %dot_general3A_38 = tpu.matmul %get3A_34, %get3A_37, %dot_general3A {dimension_numbers = #tpu.dot_dimension_numbers<[1], [0], [0], [1], [0, 0, 1, 1], [], []>, transpose_lhs_hint = false} : vector<16x20xf32>, vector<20x150xf32>, vector<16x150xf32> -> vector<16x150xf32>
    %iota3A = tpu.iota {dimensions = array<i32: 0>} : vector<16x150xi32>
    %eq3A = arith.constant 15 : i32
    %eq3A_39 = vector.broadcast %eq3A : i32 to vector<16x150xi32>
    %eq3A_40 = arith.cmpi eq, %iota3A, %eq3A_39 : vector<16x150xi32>
    %get3A_41 = arith.constant 0 : index
    %get3A_42 = arith.constant 0 : index
    %get3A_43 = vector.load %arg15[%get3A_41, %get3A_42] : memref<1x150xf32, #tpu.memory_space<vmem>>, vector<1x150xf32>
    %broadcast_in_dim3A = vector.shape_cast %get3A_43 : vector<1x150xf32> to vector<1x150xf32>
    %broadcast_in_dim3A_44 = vector.broadcast %broadcast_in_dim3A : vector<1x150xf32> to vector<16x150xf32>
    %select_n3A_45 = arith.select %eq3A_40, %broadcast_in_dim3A_44, %dot_general3A_38 : vector<16x150xi1>, vector<16x150xf32>
    %convert_element_type3A_46 = arith.truncf %select_n3A_45 : vector<16x150xf32> to vector<16x150xbf16>
    %get3A_47 = arith.constant 0 : index
    %get3A_48 = arith.constant 0 : index
    %get3A_49 = vector.load %arg11[%get3A_47, %get3A_48] : memref<768x150xf32, #tpu.memory_space<vmem>>, vector<768x150xf32>
    %convert_element_type3A_50 = arith.truncf %get3A_49 : vector<768x150xf32> to vector<768x150xbf16>
    %swap3A_51 = arith.constant 0 : index
    %swap3A_52 = arith.constant 0 : index
    %swap3A_53 = vector.load %arg28[%swap3A_51, %swap3A_52] : memref<768x150xbf16, #tpu.memory_space<vmem>>, vector<768x150xbf16>
    tpu.vector_store %arg28[%swap3A_51, %swap3A_52], %convert_element_type3A_50 {strides = array<i32>} : memref<768x150xbf16, #tpu.memory_space<vmem>>, vector<768x150xbf16>,
    %get3A_54 = arith.constant 0 : index
    %get3A_55 = arith.constant 0 : index
    %get3A_56 = vector.load %arg14[%get3A_54, %get3A_55] : memref<1x150xf32, #tpu.memory_space<vmem>>, vector<1x150xf32>
    %convert_element_type3A_57 = arith.truncf %get3A_56 : vector<1x150xf32> to vector<1x150xbf16>
    %iota3A_58 = tpu.iota {dimensions = array<i32: 2>} : vector<1x1x16xi32>
    %eq3A_59 = arith.constant 15 : i32
    %eq3A_60 = vector.broadcast %eq3A_59 : i32 to vector<1x1x16xi32>
    %eq3A_61 = arith.cmpi eq, %iota3A_58, %eq3A_60 : vector<1x1x16xi32>
    %scan3A = arith.constant 0 : i32
    %scan3A_62 = arith.constant 4 : i32
    %scan3A_63 = arith.addi %scan3A, %scan3A_62 : i32
    %scan3A_64 = arith.constant 1 : i32
    scf.for %scan3A_161 = %scan3A to %scan3A_63 step %scan3A_64  : i32 {
      %mul3A_162 = arith.constant 32 : i32
      %mul3A_163 = arith.muli %scan3A_161, %mul3A_162 : i32
      %multiple_of3A = tpu.assume_multiple %mul3A_163, 32 : i32
      %get3A_164 = arith.index_cast %multiple_of3A : i32 to index
      %get3A_165 = arith.constant 0 : index
      %get3A_166 = vector.load %arg26[%get3A_164, %get3A_165] : memref<128x128xi32, #tpu.memory_space<vmem>>, vector<32x128xi32>
      %broadcast_in_dim3A_167 = vector.shape_cast %get3A_166 : vector<32x128xi32> to vector<32x128x1xi32>
      %iota3A_168 = tpu.iota {dimensions = array<i32: 2>} : vector<1x1x16xi32>
      %eq3A_169 = vector.broadcast %broadcast_in_dim3A_167 : vector<32x128x1xi32> to vector<32x128x16xi32>
      %eq3A_170 = vector.broadcast %iota3A_168 : vector<1x1x16xi32> to vector<32x128x16xi32>
      %eq3A_171 = arith.cmpi eq, %eq3A_169, %eq3A_170 : vector<32x128x16xi32>
      %or3A = vector.broadcast %eq3A_61 : vector<1x1x16xi1> to vector<32x128x16xi1>
      %or3A_172 = arith.ori %eq3A_171, %or3A : vector<32x128x16xi1>
      %convert_element_type3A_173 = arith.extui %or3A_172 : vector<32x128x16xi1> to vector<32x128x16xi32>
      %convert_element_type3A_174 = arith.sitofp %convert_element_type3A_173 : vector<32x128x16xi32> to vector<32x128x16xf32>
      %convert_element_type3A_175 = arith.truncf %convert_element_type3A_174 : vector<32x128x16xf32> to vector<32x128x16xbf16>
      %reshape3A = vector.shape_cast %convert_element_type3A_175 : vector<32x128x16xbf16> to vector<4096x16xbf16>
      %dot_general3A_176 = arith.constant dense<0.000000e+00> : vector<4096x150xf32>
      %dot_general3A_177 = tpu.matmul %reshape3A, %convert_element_type3A_46, %dot_general3A_176 {dimension_numbers = #tpu.dot_dimension_numbers<[1], [0], [0], [1], [0, 0, 1, 1], [], []>, transpose_lhs_hint = false} : vector<4096x16xbf16>, vector<16x150xbf16>, vector<4096x150xf32> -> vector<4096x150xf32>
      %convert_element_type3A_178 = arith.truncf %dot_general3A_177 : vector<4096x150xf32> to vector<4096x150xbf16>
      %mul3A_179 = arith.constant 128 : i32
      %mul3A_180 = arith.muli %multiple_of3A, %mul3A_179 : i32
      %swap3A_181 = arith.index_cast %mul3A_180 : i32 to index
      %swap3A_182 = arith.constant 0 : index
      %swap3A_183 = vector.load %arg27[%swap3A_181, %swap3A_182] : memref<16384x150xbf16, #tpu.memory_space<vmem>>, vector<4096x150xbf16>
      tpu.vector_store %arg27[%swap3A_181, %swap3A_182], %convert_element_type3A_178 {strides = array<i32>} : memref<16384x150xbf16, #tpu.memory_space<vmem>>, vector<4096x150xbf16>,
    }
    %scan3A_65 = arith.constant 4 : i32
    %get3A_66 = arith.constant 0 : index
    %get3A_67 = arith.constant 0 : index
    %get3A_68 = vector.load %arg0[%get3A_66, %get3A_67] : memref<128x768xf32, #tpu.memory_space<vmem>>, vector<128x768xf32>
    %convert_element_type3A_69 = arith.truncf %get3A_68 : vector<128x768xf32> to vector<128x768xbf16>
    %swap3A_70 = arith.constant 0 : index
    %swap3A_71 = arith.constant 0 : index
    %swap3A_72 = vector.load %arg22[%swap3A_70, %swap3A_71] : memref<128x768xbf16, #tpu.memory_space<vmem>>, vector<128x768xbf16>
    tpu.vector_store %arg22[%swap3A_70, %swap3A_71], %convert_element_type3A_69 {strides = array<i32>} : memref<128x768xbf16, #tpu.memory_space<vmem>>, vector<128x768xbf16>,
    %get3A_73 = arith.constant 0 : index
    %get3A_74 = arith.constant 0 : index
    %get3A_75 = vector.load %arg9[%get3A_73, %get3A_74] : memref<768x150xf32, #tpu.memory_space<vmem>>, vector<768x150xf32>
    %dot_general3A_76 = arith.constant dense<0.000000e+00> : vector<128x150xf32>
    %dot_general3A_77 = tpu.matmul %get3A_68, %get3A_75, %dot_general3A_76 {dimension_numbers = #tpu.dot_dimension_numbers<[1], [0], [0], [1], [0, 0, 1, 1], [], []>, transpose_lhs_hint = false} : vector<128x768xf32>, vector<768x150xf32>, vector<128x150xf32> -> vector<128x150xf32>
    %convert_element_type3A_78 = arith.truncf %dot_general3A_77 : vector<128x150xf32> to vector<128x150xbf16>
    %swap3A_79 = arith.constant 0 : index
    %swap3A_80 = arith.constant 0 : index
    %swap3A_81 = vector.load %arg23[%swap3A_79, %swap3A_80] : memref<128x150xbf16, #tpu.memory_space<vmem>>, vector<128x150xbf16>
    tpu.vector_store %arg23[%swap3A_79, %swap3A_80], %convert_element_type3A_78 {strides = array<i32>} : memref<128x150xbf16, #tpu.memory_space<vmem>>, vector<128x150xbf16>,
    %get3A_82 = arith.constant 0 : index
    %get3A_83 = arith.constant 0 : index
    %get3A_84 = vector.load %arg10[%get3A_82, %get3A_83] : memref<768x150xf32, #tpu.memory_space<vmem>>, vector<768x150xf32>
    %dot_general3A_85 = arith.constant dense<0.000000e+00> : vector<128x150xf32>
    %dot_general3A_86 = tpu.matmul %get3A_68, %get3A_84, %dot_general3A_85 {dimension_numbers = #tpu.dot_dimension_numbers<[1], [0], [0], [1], [0, 0, 1, 1], [], []>, transpose_lhs_hint = false} : vector<128x768xf32>, vector<768x150xf32>, vector<128x150xf32> -> vector<128x150xf32>
    %convert_element_type3A_87 = arith.truncf %dot_general3A_86 : vector<128x150xf32> to vector<128x150xbf16>
    %swap3A_88 = arith.constant 0 : index
    %swap3A_89 = arith.constant 0 : index
    %swap3A_90 = vector.load %arg24[%swap3A_88, %swap3A_89] : memref<128x150xbf16, #tpu.memory_space<vmem>>, vector<128x150xbf16>
    tpu.vector_store %arg24[%swap3A_88, %swap3A_89], %convert_element_type3A_87 {strides = array<i32>} : memref<128x150xbf16, #tpu.memory_space<vmem>>, vector<128x150xbf16>,
    %scan3A_91 = arith.constant 0 : i32
    %scan3A_92 = arith.constant 4 : i32
    %scan3A_93 = arith.addi %scan3A_91, %scan3A_92 : i32
    %scan3A_94 = arith.constant 1 : i32
    scf.for %scan3A_161 = %scan3A_91 to %scan3A_93 step %scan3A_94  : i32 {
      %mul3A_162 = arith.constant 32 : i32
      %mul3A_163 = arith.muli %scan3A_161, %mul3A_162 : i32
      %multiple_of3A = tpu.assume_multiple %mul3A_163, 32 : i32
      %get3A_164 = arith.index_cast %multiple_of3A : i32 to index
      %get3A_165 = arith.constant 0 : index
      %get3A_166 = vector.load %arg22[%get3A_164, %get3A_165] : memref<128x768xbf16, #tpu.memory_space<vmem>>, vector<32x768xbf16>
      %broadcast_in_dim3A_167 = vector.shape_cast %get3A_166 : vector<32x768xbf16> to vector<32x1x768xbf16>
      %broadcast_in_dim3A_168 = vector.shape_cast %convert_element_type3A_69 : vector<128x768xbf16> to vector<1x128x768xbf16>
      %mul3A_169 = vector.broadcast %broadcast_in_dim3A_167 : vector<32x1x768xbf16> to vector<32x128x768xbf16>
      %mul3A_170 = vector.broadcast %broadcast_in_dim3A_168 : vector<1x128x768xbf16> to vector<32x128x768xbf16>
      %mul3A_171 = arith.mulf %mul3A_169, %mul3A_170 : vector<32x128x768xbf16>
      %reshape3A = vector.shape_cast %mul3A_171 : vector<32x128x768xbf16> to vector<4096x768xbf16>
      %get3A_172 = arith.constant 0 : index
      %get3A_173 = arith.constant 0 : index
      %get3A_174 = vector.load %arg28[%get3A_172, %get3A_173] : memref<768x150xbf16, #tpu.memory_space<vmem>>, vector<768x150xbf16>
      %dot_general3A_175 = arith.constant dense<0.000000e+00> : vector<4096x150xf32>
      %dot_general3A_176 = tpu.matmul %reshape3A, %get3A_174, %dot_general3A_175 {dimension_numbers = #tpu.dot_dimension_numbers<[1], [0], [0], [1], [0, 0, 1, 1], [], []>, transpose_lhs_hint = false} : vector<4096x768xbf16>, vector<768x150xbf16>, vector<4096x150xf32> -> vector<4096x150xf32>
      %convert_element_type3A_177 = arith.truncf %dot_general3A_176 : vector<4096x150xf32> to vector<4096x150xbf16>
      %mul3A_178 = arith.constant 128 : i32
      %mul3A_179 = arith.muli %multiple_of3A, %mul3A_178 : i32
      %get3A_180 = arith.index_cast %mul3A_179 : i32 to index
      %get3A_181 = arith.constant 0 : index
      %get3A_182 = vector.load %arg27[%get3A_180, %get3A_181] : memref<16384x150xbf16, #tpu.memory_space<vmem>>, vector<4096x150xbf16>
      %add3A_183 = arith.addf %convert_element_type3A_177, %get3A_182 : vector<4096x150xbf16>
      %reshape3A_184 = vector.shape_cast %add3A_183 : vector<4096x150xbf16> to vector<32x128x150xbf16>
      %get3A_185 = arith.index_cast %multiple_of3A : i32 to index
      %get3A_186 = arith.constant 0 : index
      %get3A_187 = vector.load %arg23[%get3A_185, %get3A_186] : memref<128x150xbf16, #tpu.memory_space<vmem>>, vector<32x150xbf16>
      %broadcast_in_dim3A_188 = vector.shape_cast %get3A_187 : vector<32x150xbf16> to vector<32x1x150xbf16>
      %add3A_189 = vector.broadcast %broadcast_in_dim3A_188 : vector<32x1x150xbf16> to vector<32x128x150xbf16>
      %add3A_190 = arith.addf %reshape3A_184, %add3A_189 : vector<32x128x150xbf16>
      %get3A_191 = arith.constant 0 : index
      %get3A_192 = arith.constant 0 : index
      %get3A_193 = vector.load %arg24[%get3A_191, %get3A_192] : memref<128x150xbf16, #tpu.memory_space<vmem>>, vector<128x150xbf16>
      %broadcast_in_dim3A_194 = vector.shape_cast %get3A_193 : vector<128x150xbf16> to vector<1x128x150xbf16>
      %add3A_195 = vector.broadcast %broadcast_in_dim3A_194 : vector<1x128x150xbf16> to vector<32x128x150xbf16>
      %add3A_196 = arith.addf %add3A_190, %add3A_195 : vector<32x128x150xbf16>
      %max3A_197 = arith.constant 0.000000e+00 : bf16
      %max3A_198 = vector.broadcast %max3A_197 : bf16 to vector<32x128x150xbf16>
      %max3A_199 = arith.maximumf %add3A_196, %max3A_198 : vector<32x128x150xbf16>
      %broadcast_in_dim3A_200 = vector.shape_cast %convert_element_type3A_57 : vector<1x150xbf16> to vector<1x1x150xbf16>
      %mul3A_201 = vector.broadcast %broadcast_in_dim3A_200 : vector<1x1x150xbf16> to vector<32x128x150xbf16>
      %mul3A_202 = arith.mulf %max3A_199, %mul3A_201 : vector<32x128x150xbf16>
      %convert_element_type3A_203 = arith.extf %mul3A_202 : vector<32x128x150xbf16> to vector<32x128x150xf32>
      %reduce_sum3A = arith.constant dense<0.000000e+00> : vector<32x128xf32>
      %reduce_sum3A_204 = vector.multi_reduction <add>, %convert_element_type3A_203, %reduce_sum3A [2] : vector<32x128x150xf32> to vector<32x128xf32>
      %swap3A_205 = arith.index_cast %multiple_of3A : i32 to index
      %swap3A_206 = arith.constant 0 : index
      %swap3A_207 = vector.load %arg25[%swap3A_205, %swap3A_206] : memref<128x128xf32, #tpu.memory_space<vmem>>, vector<32x128xf32>
      tpu.vector_store %arg25[%swap3A_205, %swap3A_206], %reduce_sum3A_204 {strides = array<i32>} : memref<128x128xf32, #tpu.memory_space<vmem>>, vector<32x128xf32>,
    }
    %scan3A_95 = arith.constant 4 : i32
    %get3A_96 = arith.constant 0 : index
    %get3A_97 = arith.constant 0 : index
    %get3A_98 = vector.load %arg25[%get3A_96, %get3A_97] : memref<128x128xf32, #tpu.memory_space<vmem>>, vector<128x128xf32>
    %get3A_99 = arith.constant 0 : index
    %get3A_100 = arith.constant 0 : index
    %get3A_101 = vector.load %arg16[%get3A_99, %get3A_100] : memref<1x1xf32, #tpu.memory_space<vmem>>, vector<1x1xf32>
    %add3A_102 = vector.broadcast %get3A_101 : vector<1x1xf32> to vector<128x128xf32>
    %add3A_103 = arith.addf %get3A_98, %add3A_102 : vector<128x128xf32>
    %get3A_104 = arith.constant 0 : index
    %get3A_105 = arith.constant 0 : index
    %get3A_106 = vector.load %arg4[%get3A_104, %get3A_105] : memref<128x1xf32, #tpu.memory_space<vmem>>, vector<128x1xf32>
    %add3A_107 = vector.broadcast %get3A_106 : vector<128x1xf32> to vector<128x128xf32>
    %add3A_108 = arith.addf %add3A_103, %add3A_107 : vector<128x128xf32>
    %get3A_109 = arith.constant 0 : index
    %get3A_110 = arith.constant 0 : index
    %get3A_111 = vector.load %arg5[%get3A_109, %get3A_110] : memref<1x128xf32, #tpu.memory_space<vmem>>, vector<1x128xf32>
    %add3A_112 = vector.broadcast %get3A_111 : vector<1x128xf32> to vector<128x128xf32>
    %add3A_113 = arith.addf %add3A_108, %add3A_112 : vector<128x128xf32>
    %iota3A_114 = tpu.iota {dimensions = array<i32: 0>} : vector<128x128xi32>
    %iota3A_115 = tpu.iota {dimensions = array<i32: 1>} : vector<128x128xi32>
    %eq3A_116 = arith.cmpi eq, %iota3A_114, %iota3A_115 : vector<128x128xi32>
    %jit3A = arith.constant 0.000000e+00 : f32
    %broadcast_in_dim3A_117 = vector.broadcast %jit3A : f32 to vector<128x128xf32>
    %select_n3A_118 = arith.select %eq3A_116, %broadcast_in_dim3A_117, %add3A_113 : vector<128x128xi1>, vector<128x128xf32>
    %get3A_119 = arith.constant 0 : index
    %get3A_120 = arith.constant 0 : index
    %get3A_121 = vector.load %arg3[%get3A_119, %get3A_120] : memref<128x128xf32, #tpu.memory_space<vmem>>, vector<128x128xf32>
    %sub3A_122 = arith.constant 1.000000e+00 : f32
    %sub3A_123 = vector.broadcast %sub3A_122 : f32 to vector<128x128xf32>
    %sub3A_124 = arith.subf %sub3A_123, %get3A_121 : vector<128x128xf32>
    %mul3A = arith.constant 9.99999977E+22 : f32
    %mul3A_125 = vector.broadcast %mul3A : f32 to vector<128x128xf32>
    %mul3A_126 = arith.mulf %sub3A_124, %mul3A_125 : vector<128x128xf32>
    %scan3A_127 = arith.constant 0 : i32
    %scan3A_128 = arith.constant 2 : i32
    %scan3A_129 = arith.addi %scan3A_127, %scan3A_128 : i32
    %scan3A_130 = arith.constant 1 : i32
    %scan3A_131:2 = scf.for %scan3A_161 = %scan3A_127 to %scan3A_129 step %scan3A_130 iter_args(%scan3A_162 = %get3A_68, %scan3A_163 = %select_n3A_118) -> (vector<128x768xf32>, vector<128x128xf32>)  : i32 {
      %sub3A_164 = arith.subf %scan3A_163, %mul3A_126 : vector<128x128xf32>
      %reduce_max3A = arith.constant dense<0xFF800000> : vector<128xf32>
      %reduce_max3A_165 = vector.multi_reduction <maximumf>, %sub3A_164, %reduce_max3A [1] : vector<128x128xf32> to vector<128xf32>
      %broadcast_in_dim3A_166 = vector.shape_cast %reduce_max3A_165 : vector<128xf32> to vector<128x1xf32>
      %sub3A_167 = vector.broadcast %broadcast_in_dim3A_166 : vector<128x1xf32> to vector<128x128xf32>
      %sub3A_168 = arith.subf %sub3A_164, %sub3A_167 : vector<128x128xf32>
      %exp3A = math.exp %sub3A_168 : vector<128x128xf32>
      %reduce_sum3A = arith.constant dense<0.000000e+00> : vector<128xf32>
      %reduce_sum3A_169 = vector.multi_reduction <add>, %exp3A, %reduce_sum3A [1] : vector<128x128xf32> to vector<128xf32>
      %broadcast_in_dim3A_170 = vector.shape_cast %reduce_sum3A_169 : vector<128xf32> to vector<128x1xf32>
      %div3A = vector.broadcast %broadcast_in_dim3A_170 : vector<128x1xf32> to vector<128x128xf32>
      %div3A_171 = arith.divf %exp3A, %div3A : vector<128x128xf32>
      %dot_general3A_172 = arith.constant dense<0.000000e+00> : vector<128x768xf32>
      %dot_general3A_173 = tpu.matmul %div3A_171, %scan3A_162, %dot_general3A_172 {dimension_numbers = #tpu.dot_dimension_numbers<[1], [0], [0], [1], [0, 0, 1, 1], [], []>, transpose_lhs_hint = false} : vector<128x128xf32>, vector<128x768xf32>, vector<128x768xf32> -> vector<128x768xf32>
      %get3A_174 = arith.constant 0 : index
      %get3A_175 = arith.constant 0 : index
      %get3A_176 = vector.load %arg17[%get3A_174, %get3A_175] : memref<1536x768xf32, #tpu.memory_space<vmem>>, vector<768x768xf32>
      %dot_general3A_177 = arith.constant dense<0.000000e+00> : vector<128x768xf32>
      %dot_general3A_178 = tpu.matmul %scan3A_162, %get3A_176, %dot_general3A_177 {dimension_numbers = #tpu.dot_dimension_numbers<[1], [0], [0], [1], [0, 0, 1, 1], [], []>, transpose_lhs_hint = false} : vector<128x768xf32>, vector<768x768xf32>, vector<128x768xf32> -> vector<128x768xf32>
      %get3A_179 = arith.constant 768 : index
      %get3A_180 = arith.constant 0 : index
      %get3A_181 = vector.load %arg17[%get3A_179, %get3A_180] : memref<1536x768xf32, #tpu.memory_space<vmem>>, vector<768x768xf32>
      %dot_general3A_182 = arith.constant dense<0.000000e+00> : vector<128x768xf32>
      %dot_general3A_183 = tpu.matmul %dot_general3A_173, %get3A_181, %dot_general3A_182 {dimension_numbers = #tpu.dot_dimension_numbers<[1], [0], [0], [1], [0, 0, 1, 1], [], []>, transpose_lhs_hint = false} : vector<128x768xf32>, vector<768x768xf32>, vector<128x768xf32> -> vector<128x768xf32>
      %add3A_184 = arith.addf %dot_general3A_178, %dot_general3A_183 : vector<128x768xf32>
      %get3A_185 = arith.constant 0 : index
      %get3A_186 = arith.constant 0 : index
      %get3A_187 = vector.load %arg18[%get3A_185, %get3A_186] : memref<1x768xf32, #tpu.memory_space<vmem>>, vector<1x768xf32>
      %add3A_188 = vector.broadcast %get3A_187 : vector<1x768xf32> to vector<128x768xf32>
      %add3A_189 = arith.addf %add3A_184, %add3A_188 : vector<128x768xf32>
      %logistic3A = arith.negf %add3A_189 : vector<128x768xf32>
      %logistic3A_190 = math.exp %logistic3A : vector<128x768xf32>
      %logistic3A_191 = arith.constant 1.000000e+00 : f32
      %logistic3A_192 = vector.broadcast %logistic3A_191 : f32 to vector<128x768xf32>
      %logistic3A_193 = arith.addf %logistic3A_192, %logistic3A_190 : vector<128x768xf32>
      %logistic3A_194 = arith.divf %logistic3A_192, %logistic3A_193 : vector<128x768xf32>
      %mul3A_195 = arith.mulf %logistic3A_194, %scan3A_162 : vector<128x768xf32>
      %sub3A_196 = arith.constant 1.000000e+00 : f32
      %sub3A_197 = vector.broadcast %sub3A_196 : f32 to vector<128x768xf32>
      %sub3A_198 = arith.subf %sub3A_197, %logistic3A_194 : vector<128x768xf32>
      %mul3A_199 = arith.mulf %sub3A_198, %dot_general3A_173 : vector<128x768xf32>
      %add3A_200 = arith.addf %mul3A_195, %mul3A_199 : vector<128x768xf32>
      %convert_element_type3A_201 = arith.truncf %add3A_200 : vector<128x768xf32> to vector<128x768xbf16>
      %swap3A_202 = arith.constant 0 : index
      %swap3A_203 = arith.constant 0 : index
      %swap3A_204 = vector.load %arg22[%swap3A_202, %swap3A_203] : memref<128x768xbf16, #tpu.memory_space<vmem>>, vector<128x768xbf16>
      tpu.vector_store %arg22[%swap3A_202, %swap3A_203], %convert_element_type3A_201 {strides = array<i32>} : memref<128x768xbf16, #tpu.memory_space<vmem>>, vector<128x768xbf16>,
      %get3A_205 = arith.constant 0 : index
      %get3A_206 = arith.constant 0 : index
      %get3A_207 = vector.load %arg9[%get3A_205, %get3A_206] : memref<768x150xf32, #tpu.memory_space<vmem>>, vector<768x150xf32>
      %dot_general3A_208 = arith.constant dense<0.000000e+00> : vector<128x150xf32>
      %dot_general3A_209 = tpu.matmul %add3A_200, %get3A_207, %dot_general3A_208 {dimension_numbers = #tpu.dot_dimension_numbers<[1], [0], [0], [1], [0, 0, 1, 1], [], []>, transpose_lhs_hint = false} : vector<128x768xf32>, vector<768x150xf32>, vector<128x150xf32> -> vector<128x150xf32>
      %convert_element_type3A_210 = arith.truncf %dot_general3A_209 : vector<128x150xf32> to vector<128x150xbf16>
      %swap3A_211 = arith.constant 0 : index
      %swap3A_212 = arith.constant 0 : index
      %swap3A_213 = vector.load %arg23[%swap3A_211, %swap3A_212] : memref<128x150xbf16, #tpu.memory_space<vmem>>, vector<128x150xbf16>
      tpu.vector_store %arg23[%swap3A_211, %swap3A_212], %convert_element_type3A_210 {strides = array<i32>} : memref<128x150xbf16, #tpu.memory_space<vmem>>, vector<128x150xbf16>,
      %get3A_214 = arith.constant 0 : index
      %get3A_215 = arith.constant 0 : index
      %get3A_216 = vector.load %arg10[%get3A_214, %get3A_215] : memref<768x150xf32, #tpu.memory_space<vmem>>, vector<768x150xf32>
      %dot_general3A_217 = arith.constant dense<0.000000e+00> : vector<128x150xf32>
      %dot_general3A_218 = tpu.matmul %add3A_200, %get3A_216, %dot_general3A_217 {dimension_numbers = #tpu.dot_dimension_numbers<[1], [0], [0], [1], [0, 0, 1, 1], [], []>, transpose_lhs_hint = false} : vector<128x768xf32>, vector<768x150xf32>, vector<128x150xf32> -> vector<128x150xf32>
      %convert_element_type3A_219 = arith.truncf %dot_general3A_218 : vector<128x150xf32> to vector<128x150xbf16>
      %swap3A_220 = arith.constant 0 : index
      %swap3A_221 = arith.constant 0 : index
      %swap3A_222 = vector.load %arg24[%swap3A_220, %swap3A_221] : memref<128x150xbf16, #tpu.memory_space<vmem>>, vector<128x150xbf16>
      tpu.vector_store %arg24[%swap3A_220, %swap3A_221], %convert_element_type3A_219 {strides = array<i32>} : memref<128x150xbf16, #tpu.memory_space<vmem>>, vector<128x150xbf16>,
      %scan3A_223 = arith.constant 0 : i32
      %scan3A_224 = arith.constant 4 : i32
      %scan3A_225 = arith.addi %scan3A_223, %scan3A_224 : i32
      %scan3A_226 = arith.constant 1 : i32
      scf.for %scan3A_236 = %scan3A_223 to %scan3A_225 step %scan3A_226  : i32 {
        %mul3A_237 = arith.constant 32 : i32
        %mul3A_238 = arith.muli %scan3A_236, %mul3A_237 : i32
        %multiple_of3A = tpu.assume_multiple %mul3A_238, 32 : i32
        %get3A_239 = arith.index_cast %multiple_of3A : i32 to index
        %get3A_240 = arith.constant 0 : index
        %get3A_241 = vector.load %arg22[%get3A_239, %get3A_240] : memref<128x768xbf16, #tpu.memory_space<vmem>>, vector<32x768xbf16>
        %broadcast_in_dim3A_242 = vector.shape_cast %get3A_241 : vector<32x768xbf16> to vector<32x1x768xbf16>
        %broadcast_in_dim3A_243 = vector.shape_cast %convert_element_type3A_201 : vector<128x768xbf16> to vector<1x128x768xbf16>
        %mul3A_244 = vector.broadcast %broadcast_in_dim3A_242 : vector<32x1x768xbf16> to vector<32x128x768xbf16>
        %mul3A_245 = vector.broadcast %broadcast_in_dim3A_243 : vector<1x128x768xbf16> to vector<32x128x768xbf16>
        %mul3A_246 = arith.mulf %mul3A_244, %mul3A_245 : vector<32x128x768xbf16>
        %reshape3A = vector.shape_cast %mul3A_246 : vector<32x128x768xbf16> to vector<4096x768xbf16>
        %get3A_247 = arith.constant 0 : index
        %get3A_248 = arith.constant 0 : index
        %get3A_249 = vector.load %arg28[%get3A_247, %get3A_248] : memref<768x150xbf16, #tpu.memory_space<vmem>>, vector<768x150xbf16>
        %dot_general3A_250 = arith.constant dense<0.000000e+00> : vector<4096x150xf32>
        %dot_general3A_251 = tpu.matmul %reshape3A, %get3A_249, %dot_general3A_250 {dimension_numbers = #tpu.dot_dimension_numbers<[1], [0], [0], [1], [0, 0, 1, 1], [], []>, transpose_lhs_hint = false} : vector<4096x768xbf16>, vector<768x150xbf16>, vector<4096x150xf32> -> vector<4096x150xf32>
        %convert_element_type3A_252 = arith.truncf %dot_general3A_251 : vector<4096x150xf32> to vector<4096x150xbf16>
        %mul3A_253 = arith.constant 128 : i32
        %mul3A_254 = arith.muli %multiple_of3A, %mul3A_253 : i32
        %get3A_255 = arith.index_cast %mul3A_254 : i32 to index
        %get3A_256 = arith.constant 0 : index
        %get3A_257 = vector.load %arg27[%get3A_255, %get3A_256] : memref<16384x150xbf16, #tpu.memory_space<vmem>>, vector<4096x150xbf16>
        %add3A_258 = arith.addf %convert_element_type3A_252, %get3A_257 : vector<4096x150xbf16>
        %reshape3A_259 = vector.shape_cast %add3A_258 : vector<4096x150xbf16> to vector<32x128x150xbf16>
        %get3A_260 = arith.index_cast %multiple_of3A : i32 to index
        %get3A_261 = arith.constant 0 : index
        %get3A_262 = vector.load %arg23[%get3A_260, %get3A_261] : memref<128x150xbf16, #tpu.memory_space<vmem>>, vector<32x150xbf16>
        %broadcast_in_dim3A_263 = vector.shape_cast %get3A_262 : vector<32x150xbf16> to vector<32x1x150xbf16>
        %add3A_264 = vector.broadcast %broadcast_in_dim3A_263 : vector<32x1x150xbf16> to vector<32x128x150xbf16>
        %add3A_265 = arith.addf %reshape3A_259, %add3A_264 : vector<32x128x150xbf16>
        %get3A_266 = arith.constant 0 : index
        %get3A_267 = arith.constant 0 : index
        %get3A_268 = vector.load %arg24[%get3A_266, %get3A_267] : memref<128x150xbf16, #tpu.memory_space<vmem>>, vector<128x150xbf16>
        %broadcast_in_dim3A_269 = vector.shape_cast %get3A_268 : vector<128x150xbf16> to vector<1x128x150xbf16>
        %add3A_270 = vector.broadcast %broadcast_in_dim3A_269 : vector<1x128x150xbf16> to vector<32x128x150xbf16>
        %add3A_271 = arith.addf %add3A_265, %add3A_270 : vector<32x128x150xbf16>
        %max3A_272 = arith.constant 0.000000e+00 : bf16
        %max3A_273 = vector.broadcast %max3A_272 : bf16 to vector<32x128x150xbf16>
        %max3A_274 = arith.maximumf %add3A_271, %max3A_273 : vector<32x128x150xbf16>
        %broadcast_in_dim3A_275 = vector.shape_cast %convert_element_type3A_57 : vector<1x150xbf16> to vector<1x1x150xbf16>
        %mul3A_276 = vector.broadcast %broadcast_in_dim3A_275 : vector<1x1x150xbf16> to vector<32x128x150xbf16>
        %mul3A_277 = arith.mulf %max3A_274, %mul3A_276 : vector<32x128x150xbf16>
        %convert_element_type3A_278 = arith.extf %mul3A_277 : vector<32x128x150xbf16> to vector<32x128x150xf32>
        %reduce_sum3A_279 = arith.constant dense<0.000000e+00> : vector<32x128xf32>
        %reduce_sum3A_280 = vector.multi_reduction <add>, %convert_element_type3A_278, %reduce_sum3A_279 [2] : vector<32x128x150xf32> to vector<32x128xf32>
        %swap3A_281 = arith.index_cast %multiple_of3A : i32 to index
        %swap3A_282 = arith.constant 0 : index
        %swap3A_283 = vector.load %arg25[%swap3A_281, %swap3A_282] : memref<128x128xf32, #tpu.memory_space<vmem>>, vector<32x128xf32>
        tpu.vector_store %arg25[%swap3A_281, %swap3A_282], %reduce_sum3A_280 {strides = array<i32>} : memref<128x128xf32, #tpu.memory_space<vmem>>, vector<32x128xf32>,
      }
      %scan3A_227 = arith.constant 4 : i32
      %get3A_228 = arith.constant 0 : index
      %get3A_229 = arith.constant 0 : index
      %get3A_230 = vector.load %arg25[%get3A_228, %get3A_229] : memref<128x128xf32, #tpu.memory_space<vmem>>, vector<128x128xf32>
      %get3A_231 = arith.constant 0 : index
      %get3A_232 = arith.constant 0 : index
      %get3A_233 = vector.load %arg16[%get3A_231, %get3A_232] : memref<1x1xf32, #tpu.memory_space<vmem>>, vector<1x1xf32>
      %add3A_234 = vector.broadcast %get3A_233 : vector<1x1xf32> to vector<128x128xf32>
      %add3A_235 = arith.addf %get3A_230, %add3A_234 : vector<128x128xf32>
      scf.yield %add3A_200, %add3A_235 : vector<128x768xf32>, vector<128x128xf32>
    }
    %swap3A_132 = arith.constant 0 : index
    %swap3A_133 = arith.constant 0 : index
    %swap3A_134 = vector.load %arg19[%swap3A_132, %swap3A_133] : memref<128x768xf32, #tpu.memory_space<vmem>>, vector<128x768xf32>
    tpu.vector_store %arg19[%swap3A_132, %swap3A_133], %scan3A_131#0 {strides = array<i32>} : memref<128x768xf32, #tpu.memory_space<vmem>>, vector<128x768xf32>,
    %swap3A_135 = arith.constant 0 : index
    %swap3A_136 = arith.constant 0 : index
    %swap3A_137 = vector.load %arg20[%swap3A_135, %swap3A_136] : memref<128x128xf32, #tpu.memory_space<vmem>>, vector<128x128xf32>
    tpu.vector_store %arg20[%swap3A_135, %swap3A_136], %scan3A_131#1 {strides = array<i32>} : memref<128x128xf32, #tpu.memory_space<vmem>>, vector<128x128xf32>,
    %get3A_138 = arith.constant 0 : index
    %get3A_139 = arith.constant 0 : index
    %get3A_140 = vector.load %arg6[%get3A_138, %get3A_139] : memref<128x1xi32, #tpu.memory_space<vmem>>, vector<128x1xi32>
    %get3A_141 = arith.constant 0 : index
    %get3A_142 = arith.constant 0 : index
    %get3A_143 = vector.load %arg7[%get3A_141, %get3A_142] : memref<1x128xi32, #tpu.memory_space<vmem>>, vector<1x128xi32>
    %eq3A_144 = vector.broadcast %get3A_140 : vector<128x1xi32> to vector<128x128xi32>
    %eq3A_145 = vector.broadcast %get3A_143 : vector<1x128xi32> to vector<128x128xi32>
    %eq3A_146 = arith.cmpi eq, %eq3A_144, %eq3A_145 : vector<128x128xi32>
    %get3A_147 = arith.constant 0 : index
    %get3A_148 = arith.constant 0 : index
    %get3A_149 = vector.load %arg7[%get3A_147, %get3A_148] : memref<1x128xi32, #tpu.memory_space<vmem>>, vector<1x128xi32>
    %get3A_150 = arith.constant 0 : index
    %get3A_151 = arith.constant 0 : index
    %get3A_152 = vector.load %arg8[%get3A_150, %get3A_151] : memref<1x128xi32, #tpu.memory_space<vmem>>, vector<1x128xi32>
    %ne3A = arith.cmpi ne, %get3A_149, %get3A_152 : vector<1x128xi32>
    %and3A = vector.broadcast %ne3A : vector<1x128xi1> to vector<128x128xi1>
    %and3A_153 = arith.andi %eq3A_146, %and3A : vector<128x128xi1>
    %convert_element_type3A_154 = arith.extui %and3A_153 : vector<128x128xi1> to vector<128x128xi32>
    %convert_element_type3A_155 = arith.sitofp %convert_element_type3A_154 : vector<128x128xi32> to vector<128x128xf32>
    %dot_general3A_156 = arith.constant dense<0.000000e+00> : vector<128x768xf32>
    %dot_general3A_157 = tpu.matmul %convert_element_type3A_155, %scan3A_131#0, %dot_general3A_156 {dimension_numbers = #tpu.dot_dimension_numbers<[1], [0], [0], [1], [0, 0, 1, 1], [], []>, transpose_lhs_hint = false} : vector<128x128xf32>, vector<128x768xf32>, vector<128x768xf32> -> vector<128x768xf32>
    %swap3A_158 = arith.constant 0 : index
    %swap3A_159 = arith.constant 0 : index
    %swap3A_160 = vector.load %arg21[%swap3A_158, %swap3A_159] : memref<128x768xf32, #tpu.memory_space<vmem>>, vector<128x768xf32>
    tpu.vector_store %arg21[%swap3A_158, %swap3A_159], %dot_general3A_157 {strides = array<i32>} : memref<128x768xf32, #tpu.memory_space<vmem>>, vector<128x768xf32>,
    return
  }
}

</mosaic_0001>

<sc_bundles>
// kernel: kernel.5.cloned.1.call-start
scs
__scs_entry_jumppad:
0x0: {  	(pc) =	sbr.rel $0x88, $3  }
0x1: {  	(tag) =	ssettag $0x0;
	lr =	simm.s32 $0x1  }
0x2: {  	[smem:$0x3F8C] =	sst lr;
	_ =	strace $0xD0000000  }
0x3: {  	_ = 	snop  }
0x4: {  	_ = 	snop  }
0x5: {  	_ = 	snop  }
0x6: {  	_ = 	snop  }
0x7: {  	_ = 	snop  }
__scs_overlays_trampoline_lowered:
0x8: {  	[smem:$0x3F9B] =	sst s0  }
0x9: {  	[smem:$0x3F9C] =	sst s1  }
0xa: {  	[smem:$0x3F9D] =	sst s2  }
0xb: {  	[smem:$0x3F9E] =	sst s3  }
0xc: {  	[smem:$0x3F9F] =	sst s4  }
0xd: {  	[smem:$0x3FA0] =	sst s5  }
0xe: {  	[smem:$0x3FA1] =	sst s6  }
0xf: {  	[smem:$0x3FA2] =	sst s7  }
0x10: {  	[smem:$0x3FA3] =	sst s8  }
0x11: {  	[smem:$0x3FA4] =	sst s9;
	s0 =	simm.s32 @!p0 $0x0  }
0x12: {  	s1 =	sld [smem:$0x3F8A];
	s0 =	simm.s32 @p0 $0x1  }
0x13: {  	[smem:$0x3FA5] =	sst s0;
	s0 =	simm.s32 @!p1 $0x0  }
0x14: {  	s2 =	sld [smem:$0x3F89];
	s0 =	simm.s32 @p1 $0x1  }
0x15: {  	[smem:$0x3FA6] =	sst s0;
	s0 =	simm.s32 @!p2 $0x0  }
0x16: {  	s3 =	sld [smem:$0x3FDB];
	s0 =	simm.s32 @p2 $0x1  }
0x17: {  	s4 =	simm.s32 $0x1BF5;
	[smem:$0x3FA8] =	sst s0  }
0x18: {  	s0 =	sld [smem:$0x3F8B];
	_ =	swait.ge [sflag:s4], $0x0  }
0x19: {  	s7 =	sld [smem:$0x3F8C]  }
0x1a: {  	s8 =	sadd.s32 $0xFFFFE003, lr  }
0x1b: {  	s9 =	sadd.s32 $0xFFFFFEF7, lr;
	s5 =	simm.s32 $0xFFFFFFFF;
	p2 =	slt.u32 s8, $0xFFFFF086  }
0x1c: {  	p1 =	slt.u32 s9, $0xF7A;
	s5 =	simm.s32 @!p2 $0x0  }
0x1d: {  	s5 =	simm.s32 @p1 $0x1;
	p0 =	seq.s32 s7, s2  }
0x1e: {  	s7 =	smul.u32 @!p0 $0xF7A, s2;
	p2 =	seq.s32 @!p0 s5, $0x0  }
0x1f: {  	s9 =	smul.u32 $0xF7A, s1;
	s8 =	simm.s32 @!p0 $0x1BF5;
	p2 =	por !p2, p0  }
0x20: {  	[sflag:s8] =	ssyncset.s32 @!p0 $0xFFFFF086;
	s6 =	sadd.s32 @!p0 s3, s7;
	s7 =	simm.s32 @!p0 $0x108  }
0x21: {  	s3 =	sadd.s32 s3, s9;
	s6 =	sadd.s32 @!p0 $0x88, s6;
	s7 =	simm.s32 @p2 $0x1082  }
0x22: {  	[simem:s7], [sflag:s8] =	dma.local @!p0 [hbm:s6], $0xF7A  }
0x23: {  	s9 =	sor.u32 $0xD0000000, s2;
	s6 =	simm.s32 $0x108;
	_ =	swait.ge @!p0 [sflag:s8], $0x0  }
0x24: {  	s3 =	sadd.s32 $0x88, s3;
	s6 =	simm.s32 @!p1 $0x1082;
	[sflag:s4] =	ssyncset.s32 $0xFFFFF086  }
0x25: {  	[simem:s6], [sflag:s4] =	dma.local [hbm:s3], $0xF7A  }
0x26: {  	[smem:$0x3F8C] =	sst s1;
	(tag) =	ssettag s2;
	_ =	strace s9  }
0x27: {  	s1 =	sld [smem:$0x3F9C]  }
0x28: {  	s2 =	sld [smem:$0x3F9D]  }
0x29: {  	s4 =	sld [smem:$0x3F9F]  }
0x2a: {  	p0 =	seq.s32 s5, $0x0;
	s5 =	sld [smem:$0x3FA0]  }
0x2b: {  	s6 =	sld [smem:$0x3FA1]  }
0x2c: {  	s7 =	sld [smem:$0x3FA2]  }
0x2d: {  	s3 =	simm.s32 $0x108;
	s8 =	sld [smem:$0x3FA3]  }
0x2e: {  	s3 =	simm.s32 @!p0 $0x1082;
	s9 =	sld [smem:$0x3FA4]  }
0x2f: {  	lr =	sadd.s32 s0, s3;
	s0 =	sld [smem:$0x3F9B]  }
0x30: {  	s3 =	sld [smem:$0x3F9E]  }
0x31: {  	[smem:$0x3FA7] =	sst s10  }
0x32: {  	s10 =	sld [smem:$0x3FA5];
	_ =	sdelay $0x3  }
0x33: {  	p0 =	seq.s32 s10, $0x1;
	s10 =	sld [smem:$0x3FA7];
	_ =	sdelay $0x3  }
0x34: {  	[smem:$0x3FA7] =	sst s10  }
0x35: {  	s10 =	sld [smem:$0x3FA6];
	_ =	sdelay $0x3  }
0x36: {  	p1 =	seq.s32 s10, $0x1;
	s10 =	sld [smem:$0x3FA7];
	_ =	sdelay $0x3  }
0x37: {  	[smem:$0x3FA7] =	sst s10  }
0x38: {  	s10 =	sld [smem:$0x3FA8]  }
0x39: {  	_ = 	snop;
	(pc) =	sbr.ind lr, $3  }
0x3a: {  	_ = 	snop  }
0x3b: {  	_ = 	snop  }
0x3c: {  	p2 =	seq.s32 s10, $0x1;
	s10 =	sld [smem:$0x3FA7]  }
0x3d: {  	_ =	shalt  }
0x3e: {  	_ =	shalt  }
0x3f: {  	_ =	shalt  }
0x40: {  	_ =	shalt  }
0x41: {  	_ =	shalt  }
0x42: {  	_ =	shalt  }
0x43: {  	_ =	shalt  }
0x44: {  	_ =	shalt  }
0x45: {  	_ =	shalt  }
0x46: {  	_ =	shalt  }
0x47: {  	_ =	shalt  }
0x48: {  	_ =	shalt  }
0x49: {  	_ =	shalt  }
0x4a: {  	_ =	shalt  }
0x4b: {  	_ =	shalt  }
0x4c: {  	_ =	shalt  }
0x4d: {  	_ =	shalt  }
0x4e: {  	_ =	shalt  }
0x4f: {  	_ =	shalt  }
0x50: {  	_ =	shalt  }
0x51: {  	_ =	shalt  }
0x52: {  	_ =	shalt  }
0x53: {  	_ =	shalt  }
0x54: {  	_ =	shalt  }
0x55: {  	_ =	shalt  }
0x56: {  	_ =	shalt  }
0x57: {  	_ =	shalt  }
0x58: {  	_ =	shalt  }
0x59: {  	_ =	shalt  }
0x5a: {  	_ =	shalt  }
0x5b: {  	_ =	shalt  }
0x5c: {  	_ =	shalt  }
0x5d: {  	_ =	shalt  }
0x5e: {  	_ =	shalt  }
0x5f: {  	_ =	shalt  }
0x60: {  	_ =	shalt  }
0x61: {  	_ =	shalt  }
0x62: {  	_ =	shalt  }
0x63: {  	_ =	shalt  }
0x64: {  	_ =	shalt  }
0x65: {  	_ =	shalt  }
0x66: {  	_ =	shalt  }
0x67: {  	_ =	shalt  }
0x68: {  	_ =	shalt  }
0x69: {  	_ =	shalt  }
0x6a: {  	_ =	shalt  }
0x6b: {  	_ =	shalt  }
0x6c: {  	_ =	shalt  }
0x6d: {  	_ =	shalt  }
0x6e: {  	_ =	shalt  }
0x6f: {  	_ =	shalt  }
0x70: {  	_ =	shalt  }
0x71: {  	_ =	shalt  }
0x72: {  	_ =	shalt  }
0x73: {  	_ =	shalt  }
0x74: {  	_ =	shalt  }
0x75: {  	_ =	shalt  }
0x76: {  	_ =	shalt  }
0x77: {  	_ =	shalt  }
0x78: {  	_ =	shalt  }
0x79: {  	_ =	shalt  }
0x7a: {  	_ =	shalt  }
0x7b: {  	_ =	shalt  }
0x7c: {  	_ =	shalt  }
0x7d: {  	_ =	shalt  }
0x7e: {  	_ =	shalt  }
0x7f: {  	_ =	shalt  }
0x80: {  	_ =	shalt  }
0x81: {  	_ =	shalt  }
0x82: {  	_ =	shalt  }
0x83: {  	_ =	shalt  }
0x84: {  	_ =	shalt  }
0x85: {  	_ =	shalt  }
0x86: {  	_ =	shalt  }
0x87: {  	_ =	shalt  }
.Lfunc_end0:
.L_simem_size_0:
called_computation_lowered:
.L_overlay_start_0:
0x88: {  	s2 =	sld [smem:$0x3FD9]  }
0x89: {  	s3 =	sld [smem:$0x3FFE];
	_ =	sdelay $0x1  }
0x8a: {  	s1 =	srdreg.scid  }
0x8b: {  	s0 =	sand.u32 $0x1, s1  }
0x8c: {  	s15 =	sshll.u32 s0, $0xA;
	s2 =	sadd.s32 s3, s2  }
0x8d: {  	s2 =	sadd.s32 s2, s15  }
0x8e: {  	[smem:$0x3FB3] =	sst s2  }
0x8f: {  	_ = 	snop  }
0x90: {  	s2 =	sld [smem:$0x3FD0];
	_ =	sdelay $0x2  }
0x91: {  	s4 =	simm.s32 $0xA;
	s5 =	simm.s32 $0x10;
	s16 =	sld [smem:$0x3FC9]  }
0x92: {  	[smem:s5], [sflag:s4] =	dma.local [hbm:s2], $0x1  }
0x93: {  	_ =	swait.eq [sflag:s4], $0x1  }
0x94: {  	[sflag:s4] =	ssyncset.done $0x0  }
0x95: {  	[sflag:s4] =	ssyncadd.s32 $0xFFFFFFFF  }
0x96: {  	s17 =	sld [smem:$0x10];
	(tm) =	ssettm $0x1  }
0x97: {  	s18 =	sld [smem:$0x3FFB];
	_ =	sdelay $0x3  }
0x98: {  	_ =	strace s18  }
0x99: {  	s4 =	sld [smem:$0x3FFC];
	_ =	sdelay $0x3  }
0x9a: {  	_ =	strace s4  }
0x9b: {  	s4 =	sld [smem:$0x3FFD];
	_ =	sdelay $0x3  }
0x9c: {  	_ =	strace s4  }
0x9d: {  	_ =	strace $0x8FFFFFFF  }
0x9e: {  	s19 =	sld [smem:$0x3FDB];
	_ =	sdelay $0x1  }
0x9f: {  	s20 =	simm.s32 $_scs_section_size  }
0xa0: {  	s6 =	simm.s32 $_size__tile_overlayer_lowered;
	s7 =	simm.s32 $_tile_overlayer_lowered  }
0xa1: {  	s23 =	simm.s32 $0x1BFF;
	s22 =	sshll.u32 s7, $0x1;
	s4 =	sadd.s32 s20, s19  }
0xa2: {  	s8 =	simm.s32 $0x0;
	s21 =	sshll.u32 s6, $0x1;
	s6 =	sadd.s32 s22, s4  }
0xa3: {  	[timem:s8], [sflag:s23] =	dma.local [hbm:s6], s21  }
0xa4: {  	_ =	swait.ge [sflag:s23], s21  }
0xa5: {  	s5 =	ssub.s32 $0x0, s21;
	[sflag:s23] =	ssyncset.done $0x0  }
0xa6: {  	[sflag:s23] =	ssyncadd.s32 s5;
	_ =	sdelay $0x1  }
0xa7: {  	s24 =	simm.s32 $0x1B8B  }
0xa8: {  	_ =	swait.ge [sflag:s24], $0x1  }
0xa9: {  	[sflag:s24] =	ssyncset.done $0x0  }
0xaa: {  	s25 =	simm.s32 $0x1B8E;
	[sflag:s24] =	ssyncadd.s32 $0xFFFFFFFF  }
0xab: {  	s26 =	simm.s32 $execute0_lowered;
	[smem:$0x3FD2] =	sst s25  }
0xac: {  	s5 =	sshll.u32 s26, $0x1;
	_ =	strace $0x80000046;
	[dreg:$0x1] =	wrdreg $0xFFFFFFFF  }
0xad: {  	s28 =	simm.s32 $_size_execute0_lowered;
	s4 =	sadd.s32 s4, s5;
	[dreg:$0x0] =	wrdreg $0x0  }
0xae: {  	s5 =	sshll.u32 s28, $0x1;
	[dreg:$0x2] =	wrdreg s4  }
0xaf: {  	[dreg:$0x3] =	wrdreg s5  }
0xb0: {  	[dreg:$0x4] =	wrdreg $0xC0  }
0xb1: {  	_ =	task [dreg:s8], $0x5FFFF  }
0xb2: {  	[dreg:$0x1] =	wrdreg $0xFFFFFFFF  }
0xb3: {  	[dreg:$0x0] =	wrdreg $0x60  }
0xb4: {  	[dreg:$0x2] =	wrdreg s16  }
0xb5: {  	[dreg:$0x3] =	wrdreg s17  }
0xb6: {  	[dreg:$0x4] =	wrdreg $0x9  }
0xb7: {  	_ =	task.clear_ibuf [dreg:s8], $0x5FFFF;
	_ =	strace $0x90000046  }
0xb8: {  	s29 =	simm.s32 $0x9;
	_ =	strace $0x80000048  }
0xb9: {  	_ =	swait.ge [sflag:s29], $0x1  }
0xba: {  	[sflag:s29] =	ssyncadd.s32 $0xFFFFFFFF  }
0xbb: {  	_ =	strace $0x90000048  }
0xbc: {  	_ =	sfence  }
0xbd: {  	s30 =	sld [smem:$0x0];
	_ =	sdelay $0x2  }
0xbe: {  	s31 =	sshll.u32 s1, $0xD;
	s1 =	sshrl.u32 s1, $0x2  }
0xbf: {  	s3 =	sand.u32 $0x4000, s31;
	s1 =	sadd.s32 s1, s30  }
0xc0: {  	s0 =	sor.u32 s3, s0;
	s1 =	sshll.u32 s1, $0x11  }
0xc1: {  	s0 =	sor.u32 s1, s0  }
0xc2: {  	s0 =	sadd.s32 $0x8F2B, s0  }
0xc3: {  	[sflag:s0] =	ssyncadd.remote.s32 $0x1  }
0xc4: {  	_ =	sfence.sel $0xFFFF  }
0xc5: {  	[dreg:$0x0] =	wrdreg $0xFFFFFFFF;
	(pc) =	sbr.abs _section_cstart, $3  }
0xc6: {  	[dreg:$0x1] =	wrdreg $0xFFFFFFFF  }
0xc7: {  	_ =	task.clear_ibuf [dreg:s8], $0x2FFFF;
	_ =	strace $0x9FFFFFFF  }
0xc8: {  	(tm) =	ssettm $0x7FFFFFFF  }
0xc9: {  	_ =	shalt  }
tec
execute0_lowered:
.L_overlay_start_1:
0x0: {  	(tag) =	ssettag $0x1  }
0x1: {  	s0 =	srdreg.scid;
	s16 =	stileid.u32  }
0x2: {  	s29 =	sand.u32 $0x1, s0;
	s2 =	sshll.u32 s16, $0x1  }
0x3: {  	s30 =	sor.u32 s29, s2  }
0x4: {  	s1 =	rddreg [dreg:$0x0];
	s2 =	simm.s32 $0x0;
	s20 =	smul.u32 $0x1800, s30  }
0x5: {  	[smem:$0x7FF] =	sst s2  }
0x6: {  	s18 =	rddreg [dreg:$0x1];
	_ =	strace $0x80000047;
	s3 =	sadd.s32 s1, s20  }
0x7: {  	s4 =	sadd.s32 $0x30000, s20;
	s9 =	sadd.s32 s18, s20;
	[dreg:$0x3] =	wrdreg s3  }
0x8: {  	s5 =	sadd.s32 $0x60000, s20;
	s8 =	sadd.s32 s1, s4;
	[dreg:$0x5] =	wrdreg s9  }
0x9: {  	s10 =	sadd.s32 s1, s5;
	[dreg:$0x4] =	wrdreg s8  }
0xa: {  	s12 =	sadd.s32 $0x90000, s20;
	s11 =	sadd.s32 s18, s4;
	[dreg:$0x6] =	wrdreg s10  }
0xb: {  	s13 =	sadd.s32 s1, s12;
	[dreg:$0x7] =	wrdreg s11  }
0xc: {  	s14 =	sadd.s32 s18, s5;
	[dreg:$0x8] =	wrdreg s13  }
0xd: {  	[dreg:$0x9] =	wrdreg s14  }
0xe: {  	s9 =	sor.u32 $0xC0000, s20;
	s19 =	sadd.s32 s18, s12;
	s17 =	rddreg [dreg:$0x3]  }
0xf: {  	s15 =	sadd.s32 s1, s9;
	[dreg:$0xb] =	wrdreg s19  }
0x10: {  	[dreg:$0xa] =	wrdreg s15  }
0x11: {  	[tilespmem:s2], [sflag:$0x1] =	stream.linear.gather [hbm4b:s17+s2], $0xC000, $0x38;
	[tilespmem:$0x18000] =	vst v63  }
0x12: {  	s3 =	simm.s32 $0xC000;
	s4 =	simm.s32 $0x1;
	s6 =	rddreg [dreg:$0x4]  }
0x13: {  	[tilespmem:s3], [sflag:$0x2] =	stream.linear.gather [hbm4b:s6+s2], $0xC000, $0x38;
	[tilespmem:$0x18000] =	vst v63  }
0x14: {  	_ =	swait.ge [sflag:s4], $0xC000  }
0x15: {  	[sflag:s4] =	ssyncset.done $0x0  }
0x16: {  	s5 =	simm.s32 $0x3;
	s21 =	rddreg [dreg:$0x5];
	[sflag:s4] =	ssyncadd.s32 $0xFFFF4000  }
0x17: {  	[hbm4b:s21+s2] =	stream.linear.scatter [tilespmem:s2], [sflag:$0x3], $0xC000, $0x38;
	[tilespmem:$0x18000] =	vst v63  }
0x18: {  	_ =	swait.ge [sflag:s5], $0xC000  }
0x19: {  	[sflag:s5] =	ssyncset.done $0x0  }
0x1a: {  	s6 =	simm.s32 $0x2;
	s7 =	rddreg [dreg:$0x6];
	[sflag:s5] =	ssyncadd.s32 $0xFFFF4000  }
0x1b: {  	[tilespmem:s2], [sflag:$0x1] =	stream.linear.gather [hbm4b:s7+s2], $0xC000, $0x38;
	[tilespmem:$0x18000] =	vst v63  }
0x1c: {  	_ =	swait.ge [sflag:s6], $0xC000  }
0x1d: {  	[sflag:s6] =	ssyncset.done $0x0  }
0x1e: {  	s7 =	simm.s32 $0x4;
	s8 =	rddreg [dreg:$0x7];
	[sflag:s6] =	ssyncadd.s32 $0xFFFF4000  }
0x1f: {  	[hbm4b:s8+s2] =	stream.linear.scatter [tilespmem:s3], [sflag:$0x4], $0xC000, $0x38;
	[tilespmem:$0x18000] =	vst v63  }
0x20: {  	_ =	swait.ge [sflag:s7], $0xC000  }
0x21: {  	[sflag:s7] =	ssyncset.done $0x0  }
0x22: {  	s22 =	rddreg [dreg:$0x8];
	[sflag:s7] =	ssyncadd.s32 $0xFFFF4000  }
0x23: {  	[tilespmem:s3], [sflag:$0x2] =	stream.linear.gather [hbm4b:s22+s2], $0xC000, $0x38;
	[tilespmem:$0x18000] =	vst v63  }
0x24: {  	_ =	swait.ge [sflag:s4], $0xC000  }
0x25: {  	[sflag:s4] =	ssyncset.done $0x0  }
0x26: {  	s23 =	rddreg [dreg:$0x9];
	[sflag:s4] =	ssyncadd.s32 $0xFFFF4000  }
0x27: {  	[hbm4b:s23+s2] =	stream.linear.scatter [tilespmem:s2], [sflag:$0x3], $0xC000, $0x38;
	[tilespmem:$0x18000] =	vst v63  }
0x28: {  	_ =	swait.ge [sflag:s5], $0xC000  }
0x29: {  	[sflag:s5] =	ssyncset.done $0x0  }
0x2a: {  	s24 =	rddreg [dreg:$0xa];
	[sflag:s5] =	ssyncadd.s32 $0xFFFF4000  }
0x2b: {  	[tilespmem:s2], [sflag:$0x1] =	stream.linear.gather [hbm4b:s24+s2], $0xC000, $0x38;
	[tilespmem:$0x18000] =	vst v63  }
0x2c: {  	_ =	swait.ge [sflag:s6], $0xC000  }
0x2d: {  	[sflag:s6] =	ssyncset.done $0x0  }
0x2e: {  	s25 =	rddreg [dreg:$0xb];
	[sflag:s6] =	ssyncadd.s32 $0xFFFF4000  }
0x2f: {  	[hbm4b:s25+s2] =	stream.linear.scatter [tilespmem:s3], [sflag:$0x4], $0xC000, $0x38;
	[tilespmem:$0x18000] =	vst v63  }
0x30: {  	s11 =	sadd.s32 $0xF0000, s20;
	_ =	swait.ge [sflag:s7], $0xC000  }
0x31: {  	s26 =	sadd.s32 s1, s11;
	[sflag:s7] =	ssyncset.done $0x0  }
0x32: {  	[dreg:$0xc] =	wrdreg s26;
	[sflag:s7] =	ssyncadd.s32 $0xFFFF4000  }
0x33: {  	[tilespmem:s3], [sflag:$0x2] =	stream.linear.gather [hbm4b:s26+s2], $0xC000, $0x38;
	[tilespmem:$0x18000] =	vst v63  }
0x34: {  	_ =	swait.ge [sflag:s4], $0xC000  }
0x35: {  	[sflag:s4] =	ssyncset.done $0x0  }
0x36: {  	s9 =	sadd.s32 s18, s9;
	[sflag:s4] =	ssyncadd.s32 $0xFFFF4000  }
0x37: {  	[hbm4b:s9+s2] =	stream.linear.scatter [tilespmem:s2], [sflag:$0x3], $0xC000, $0x38;
	[tilespmem:$0x18000] =	vst v63  }
0x38: {  	_ =	swait.ge [sflag:s5], $0xC000  }
0x39: {  	s13 =	sadd.s32 $0x120000, s20;
	[sflag:s5] =	ssyncset.done $0x0  }
0x3a: {  	s10 =	sadd.s32 s1, s13;
	[sflag:s5] =	ssyncadd.s32 $0xFFFF4000  }
0x3b: {  	[tilespmem:s2], [sflag:$0x1] =	stream.linear.gather [hbm4b:s10+s2], $0xC000, $0x38;
	[tilespmem:$0x18000] =	vst v63  }
0x3c: {  	_ =	swait.ge [sflag:s6], $0xC000  }
0x3d: {  	[sflag:s6] =	ssyncset.done $0x0  }
0x3e: {  	s11 =	sadd.s32 s18, s11;
	[sflag:s6] =	ssyncadd.s32 $0xFFFF4000  }
0x3f: {  	[hbm4b:s11+s2] =	stream.linear.scatter [tilespmem:s3], [sflag:$0x4], $0xC000, $0x38;
	[tilespmem:$0x18000] =	vst v63  }
0x40: {  	_ =	swait.ge [sflag:s7], $0xC000  }
0x41: {  	s15 =	sadd.s32 $0x150000, s20;
	[sflag:s7] =	ssyncset.done $0x0  }
0x42: {  	s12 =	sadd.s32 s1, s15;
	[sflag:s7] =	ssyncadd.s32 $0xFFFF4000  }
0x43: {  	[tilespmem:s3], [sflag:$0x2] =	stream.linear.gather [hbm4b:s12+s2], $0xC000, $0x38;
	[tilespmem:$0x18000] =	vst v63  }
0x44: {  	_ =	swait.ge [sflag:s4], $0xC000  }
0x45: {  	[sflag:s4] =	ssyncset.done $0x0  }
0x46: {  	s13 =	sadd.s32 s18, s13;
	[sflag:s4] =	ssyncadd.s32 $0xFFFF4000  }
0x47: {  	[hbm4b:s13+s2] =	stream.linear.scatter [tilespmem:s2], [sflag:$0x3], $0xC000, $0x38;
	[tilespmem:$0x18000] =	vst v63  }
0x48: {  	_ =	swait.ge [sflag:s5], $0xC000  }
0x49: {  	s17 =	sor.u32 $0x180000, s20;
	[sflag:s5] =	ssyncset.done $0x0  }
0x4a: {  	s14 =	sadd.s32 s1, s17;
	[sflag:s5] =	ssyncadd.s32 $0xFFFF4000  }
0x4b: {  	[tilespmem:s2], [sflag:$0x1] =	stream.linear.gather [hbm4b:s14+s2], $0xC000, $0x38;
	[tilespmem:$0x18000] =	vst v63  }
0x4c: {  	_ =	swait.ge [sflag:s6], $0xC000  }
0x4d: {  	p0 =	sgt.u32 s16, $0xB;
	[sflag:s6] =	ssyncset.done $0x0  }
0x4e: {  	s16 =	simm.s32 @p0 $0x1;
	s15 =	sadd.s32 s18, s15;
	[sflag:s6] =	ssyncadd.s32 $0xFFFF4000  }
0x4f: {  	[hbm4b:s15+s2] =	stream.linear.scatter [tilespmem:s3], [sflag:$0x4], $0xC000, $0x38;
	[tilespmem:$0x18000] =	vst v63  }
0x50: {  	_ =	swait.ge @p0 [sflag:s16], $0xC000  }
0x51: {  	s0 =	simm.s32 @p0 $0x0;
	[sflag:s16] =	ssyncset.done @p0 $0x0  }
0x52: {  	s19 =	simm.s32 @!p0 $0x4;
	s17 =	sadd.s32 s18, s17;
	[sflag:s16] =	ssyncadd.s32 @p0 $0xFFFF4000  }
0x53: {  	[hbm4b:s17+s0] =	stream.linear.scatter @p0 [tilespmem:s0], [sflag:$0x3], $0xC000, $0x38;
	[tilespmem:$0x18000] =	vst v63  }
0x54: {  	s21 =	simm.s32 @!p0 $0x0;
	_ =	swait.ge @!p0 [sflag:s19], $0xC000  }
0x55: {  	s22 =	simm.s32 @!p0 $0xC000;
	s25 =	sadd.s32 $0x1B0000, s20;
	[sflag:s19] =	ssyncset.done @!p0 $0x0  }
0x56: {  	s23 =	simm.s32 @!p0 $0x1;
	s20 =	sadd.s32 s1, s25;
	[sflag:s19] =	ssyncadd.s32 @!p0 $0xFFFF4000  }
0x57: {  	[tilespmem:s22], [sflag:$0x2] =	stream.linear.gather @!p0 [hbm4b:s20+s21], $0xC000, $0x38;
	[tilespmem:$0x18000] =	vst v63  }
0x58: {  	_ =	swait.ge @!p0 [sflag:s23], $0xC000  }
0x59: {  	[sflag:s23] =	ssyncset.done @!p0 $0x0  }
0x5a: {  	s24 =	simm.s32 @!p0 $0x2;
	[sflag:s23] =	ssyncadd.s32 @!p0 $0xFFFF4000  }
0x5b: {  	[hbm4b:s17+s21] =	stream.linear.scatter @!p0 [tilespmem:s21], [sflag:$0x3], $0xC000, $0x38;
	[tilespmem:$0x18000] =	vst v63  }
0x5c: {  	_ =	swait.ge @!p0 [sflag:s24], $0xC000  }
0x5d: {  	s26 =	simm.s32 @!p0 $0x3;
	[sflag:s24] =	ssyncset.done @!p0 $0x0  }
0x5e: {  	s25 =	sadd.s32 s18, s25;
	s26 =	simm.s32 @p0 $0x4;
	[sflag:s24] =	ssyncadd.s32 @!p0 $0xFFFF4000  }
0x5f: {  	[hbm4b:s25+s21] =	stream.linear.scatter @!p0 [tilespmem:s22], [sflag:$0x4], $0xC000, $0x38;
	[tilespmem:$0x18000] =	vst v63  }
0x60: {  	s28 =	simm.s32 @!p0 $0x4;
	s0 =	ssub.s32 $0x2, s29;
	_ =	swait.ge [sflag:s26], $0xC000  }
0x61: {  	s28 =	simm.s32 @p0 $0x3;
	s8 =	sshrl.u32 s0, $0x1;
	[sflag:s26] =	ssyncset.done $0x0  }
0x62: {  	p1 =	sne.s32 s30, $0x18;
	s0 =	ssub.s32 s0, s8;
	[sflag:s26] =	ssyncadd.s32 $0xFFFF4000  }
0x63: {  	s30 =	sadd.s32 $0x1D4000, s1;
	s0 =	smax.u32 s0, $0x1;
	_ =	swait.ge [sflag:s28], $0xC000  }
0x64: {  	s31 =	simm.s32 @!p1 $0x0;
	s0 =	sadd.s32 $0xFFFFFFFF, s0;
	[sflag:s28] =	ssyncset.done $0x0  }
0x65: {  	s29 =	simm.s32 @!p1 $0x5;
	p2 =	sne.s32 s0, $0x0;
	[sflag:s28] =	ssyncadd.s32 $0xFFFF4000  }
0x66: {  	[tilespmem:s31], [sflag:$0x5] =	stream.linear.gather @!p1 [hbm4b:s30+s31], $0x6000, $0x38;
	[tilespmem:$0x18000] =	vst v63  }
.Ltmp0:
0x67: {  	_ =	swait.ge @!p1 [sflag:s29], $0x6000;
	(pc) =	sbr.rel @!p2 .LBB2_2-.Ltmp0, $4  }
0x68: {  	[sflag:s29] =	ssyncset.done @!p1 $0x0  }
0x69: {  	s1 =	sadd.s32 $0x1D4000, s18;
	[sflag:s29] =	ssyncadd.s32 @!p1 $0xFFFFA000  }
0x6a: {  	[hbm4b:s1+s31] =	stream.linear.scatter @!p1 [tilespmem:s31], [sflag:$0x5], $0x6000, $0x38;
	[tilespmem:$0x18000] =	vst v63  }
0x6b: {  	_ =	swait.ge @!p1 [sflag:s29], $0x6000  }
.LBB2_1:
0x6c: {  	[sflag:s29] =	ssyncset.done @!p1 $0x0  }
0x6d: {  	s18 =	rddreg [dreg:$0x3];
	[sflag:s29] =	ssyncadd.s32 @!p1 $0xFFFFA000  }
0x6e: {  	[tilespmem:s2], [sflag:$0x1] =	stream.linear.gather [hbm4b:s18+s2], $0xC000, $0x38;
	[tilespmem:$0x18000] =	vst v63  }
0x6f: {  	s8 =	rddreg [dreg:$0x4]  }
0x70: {  	[tilespmem:s3], [sflag:$0x2] =	stream.linear.gather [hbm4b:s8+s2], $0xC000, $0x38;
	[tilespmem:$0x18000] =	vst v63  }
0x71: {  	_ =	swait.ge [sflag:s4], $0xC000  }
0x72: {  	[sflag:s4] =	ssyncset.done $0x0  }
0x73: {  	s18 =	rddreg [dreg:$0x5];
	[sflag:s4] =	ssyncadd.s32 $0xFFFF4000  }
0x74: {  	[hbm4b:s18+s2] =	stream.linear.scatter [tilespmem:s2], [sflag:$0x3], $0xC000, $0x38;
	[tilespmem:$0x18000] =	vst v63  }
0x75: {  	_ =	swait.ge [sflag:s5], $0xC000  }
0x76: {  	[sflag:s5] =	ssyncset.done $0x0  }
0x77: {  	s18 =	rddreg [dreg:$0x6];
	[sflag:s5] =	ssyncadd.s32 $0xFFFF4000  }
0x78: {  	[tilespmem:s2], [sflag:$0x1] =	stream.linear.gather [hbm4b:s18+s2], $0xC000, $0x38;
	[tilespmem:$0x18000] =	vst v63  }
0x79: {  	_ =	swait.ge [sflag:s6], $0xC000  }
0x7a: {  	[sflag:s6] =	ssyncset.done $0x0  }
0x7b: {  	s18 =	rddreg [dreg:$0x7];
	[sflag:s6] =	ssyncadd.s32 $0xFFFF4000  }
0x7c: {  	[hbm4b:s18+s2] =	stream.linear.scatter [tilespmem:s3], [sflag:$0x4], $0xC000, $0x38;
	[tilespmem:$0x18000] =	vst v63  }
0x7d: {  	_ =	swait.ge [sflag:s7], $0xC000  }
0x7e: {  	[sflag:s7] =	ssyncset.done $0x0  }
0x7f: {  	s18 =	rddreg [dreg:$0x8];
	[sflag:s7] =	ssyncadd.s32 $0xFFFF4000  }
0x80: {  	[tilespmem:s3], [sflag:$0x2] =	stream.linear.gather [hbm4b:s18+s2], $0xC000, $0x38;
	[tilespmem:$0x18000] =	vst v63  }
0x81: {  	_ =	swait.ge [sflag:s4], $0xC000  }
0x82: {  	[sflag:s4] =	ssyncset.done $0x0  }
0x83: {  	s18 =	rddreg [dreg:$0x9];
	[sflag:s4] =	ssyncadd.s32 $0xFFFF4000  }
0x84: {  	[hbm4b:s18+s2] =	stream.linear.scatter [tilespmem:s2], [sflag:$0x3], $0xC000, $0x38;
	[tilespmem:$0x18000] =	vst v63  }
0x85: {  	_ =	swait.ge [sflag:s5], $0xC000  }
0x86: {  	[sflag:s5] =	ssyncset.done $0x0  }
0x87: {  	s18 =	rddreg [dreg:$0xa];
	[sflag:s5] =	ssyncadd.s32 $0xFFFF4000  }
0x88: {  	[tilespmem:s2], [sflag:$0x1] =	stream.linear.gather [hbm4b:s18+s2], $0xC000, $0x38;
	[tilespmem:$0x18000] =	vst v63  }
0x89: {  	_ =	swait.ge [sflag:s6], $0xC000  }
0x8a: {  	[sflag:s6] =	ssyncset.done $0x0  }
0x8b: {  	s18 =	rddreg [dreg:$0xb];
	[sflag:s6] =	ssyncadd.s32 $0xFFFF4000  }
0x8c: {  	[hbm4b:s18+s2] =	stream.linear.scatter [tilespmem:s3], [sflag:$0x4], $0xC000, $0x38;
	[tilespmem:$0x18000] =	vst v63  }
0x8d: {  	_ =	swait.ge [sflag:s7], $0xC000  }
0x8e: {  	[sflag:s7] =	ssyncset.done $0x0  }
0x8f: {  	s18 =	rddreg [dreg:$0xc];
	[sflag:s7] =	ssyncadd.s32 $0xFFFF4000  }
0x90: {  	[tilespmem:s3], [sflag:$0x2] =	stream.linear.gather [hbm4b:s18+s2], $0xC000, $0x38;
	[tilespmem:$0x18000] =	vst v63  }
0x91: {  	_ =	swait.ge [sflag:s4], $0xC000  }
0x92: {  	[sflag:s4] =	ssyncset.done $0x0  }
0x93: {  	[sflag:s4] =	ssyncadd.s32 $0xFFFF4000  }
0x94: {  	[hbm4b:s9+s2] =	stream.linear.scatter [tilespmem:s2], [sflag:$0x3], $0xC000, $0x38;
	[tilespmem:$0x18000] =	vst v63  }
0x95: {  	_ =	swait.ge [sflag:s5], $0xC000  }
0x96: {  	[sflag:s5] =	ssyncset.done $0x0  }
0x97: {  	[sflag:s5] =	ssyncadd.s32 $0xFFFF4000  }
0x98: {  	[tilespmem:s2], [sflag:$0x1] =	stream.linear.gather [hbm4b:s10+s2], $0xC000, $0x38;
	[tilespmem:$0x18000] =	vst v63  }
0x99: {  	_ =	swait.ge [sflag:s6], $0xC000  }
0x9a: {  	[sflag:s6] =	ssyncset.done $0x0  }
0x9b: {  	[sflag:s6] =	ssyncadd.s32 $0xFFFF4000  }
0x9c: {  	[hbm4b:s11+s2] =	stream.linear.scatter [tilespmem:s3], [sflag:$0x4], $0xC000, $0x38;
	[tilespmem:$0x18000] =	vst v63  }
0x9d: {  	_ =	swait.ge [sflag:s7], $0xC000  }
0x9e: {  	[sflag:s7] =	ssyncset.done $0x0  }
0x9f: {  	[sflag:s7] =	ssyncadd.s32 $0xFFFF4000  }
0xa0: {  	[tilespmem:s3], [sflag:$0x2] =	stream.linear.gather [hbm4b:s12+s2], $0xC000, $0x38;
	[tilespmem:$0x18000] =	vst v63  }
0xa1: {  	_ =	swait.ge [sflag:s4], $0xC000  }
0xa2: {  	[sflag:s4] =	ssyncset.done $0x0  }
0xa3: {  	[sflag:s4] =	ssyncadd.s32 $0xFFFF4000  }
0xa4: {  	[hbm4b:s13+s2] =	stream.linear.scatter [tilespmem:s2], [sflag:$0x3], $0xC000, $0x38;
	[tilespmem:$0x18000] =	vst v63  }
0xa5: {  	_ =	swait.ge [sflag:s5], $0xC000  }
0xa6: {  	[sflag:s5] =	ssyncset.done $0x0  }
0xa7: {  	[sflag:s5] =	ssyncadd.s32 $0xFFFF4000  }
0xa8: {  	[tilespmem:s2], [sflag:$0x1] =	stream.linear.gather [hbm4b:s14+s2], $0xC000, $0x38;
	[tilespmem:$0x18000] =	vst v63  }
0xa9: {  	_ =	swait.ge [sflag:s6], $0xC000  }
0xaa: {  	[sflag:s6] =	ssyncset.done $0x0  }
0xab: {  	[sflag:s6] =	ssyncadd.s32 $0xFFFF4000  }
0xac: {  	[hbm4b:s15+s2] =	stream.linear.scatter [tilespmem:s3], [sflag:$0x4], $0xC000, $0x38;
	[tilespmem:$0x18000] =	vst v63  }
0xad: {  	_ =	swait.ge @p0 [sflag:s16], $0xC000  }
0xae: {  	[sflag:s16] =	ssyncset.done @p0 $0x0  }
0xaf: {  	s8 =	simm.s32 @p0 $0x0;
	[sflag:s16] =	ssyncadd.s32 @p0 $0xFFFF4000  }
0xb0: {  	[hbm4b:s17+s8] =	stream.linear.scatter @p0 [tilespmem:s8], [sflag:$0x3], $0xC000, $0x38;
	[tilespmem:$0x18000] =	vst v63  }
0xb1: {  	_ =	swait.ge @!p0 [sflag:s19], $0xC000  }
0xb2: {  	[sflag:s19] =	ssyncset.done @!p0 $0x0  }
0xb3: {  	[sflag:s19] =	ssyncadd.s32 @!p0 $0xFFFF4000  }
0xb4: {  	[tilespmem:s22], [sflag:$0x2] =	stream.linear.gather @!p0 [hbm4b:s20+s21], $0xC000, $0x38;
	[tilespmem:$0x18000] =	vst v63  }
0xb5: {  	_ =	swait.ge @!p0 [sflag:s23], $0xC000  }
0xb6: {  	[sflag:s23] =	ssyncset.done @!p0 $0x0  }
0xb7: {  	[sflag:s23] =	ssyncadd.s32 @!p0 $0xFFFF4000  }
0xb8: {  	[hbm4b:s17+s21] =	stream.linear.scatter @!p0 [tilespmem:s21], [sflag:$0x3], $0xC000, $0x38;
	[tilespmem:$0x18000] =	vst v63  }
0xb9: {  	_ =	swait.ge @!p0 [sflag:s24], $0xC000  }
0xba: {  	[sflag:s24] =	ssyncset.done @!p0 $0x0  }
0xbb: {  	[sflag:s24] =	ssyncadd.s32 @!p0 $0xFFFF4000  }
0xbc: {  	[hbm4b:s25+s21] =	stream.linear.scatter @!p0 [tilespmem:s22], [sflag:$0x4], $0xC000, $0x38;
	[tilespmem:$0x18000] =	vst v63  }
0xbd: {  	_ =	swait.ge [sflag:s26], $0xC000  }
0xbe: {  	[sflag:s26] =	ssyncset.done $0x0  }
0xbf: {  	[sflag:s26] =	ssyncadd.s32 $0xFFFF4000  }
0xc0: {  	_ =	swait.ge [sflag:s28], $0xC000  }
0xc1: {  	s0 =	sadd.s32 $0xFFFFFFFF, s0;
	[sflag:s28] =	ssyncset.done $0x0  }
0xc2: {  	p2 =	sne.s32 s0, $0x0;
	[sflag:s28] =	ssyncadd.s32 $0xFFFF4000  }
0xc3: {  	[tilespmem:s31], [sflag:$0x5] =	stream.linear.gather @!p1 [hbm4b:s30+s31], $0x6000, $0x38;
	[tilespmem:$0x18000] =	vst v63  }
.Ltmp1:
0xc4: {  	_ =	swait.ge @!p1 [sflag:s29], $0x6000;
	(pc) =	sbr.rel @p2 .LBB2_1-.Ltmp1, $4  }
0xc5: {  	[sflag:s29] =	ssyncset.done @!p1 $0x0  }
0xc6: {  	[sflag:s29] =	ssyncadd.s32 @!p1 $0xFFFFA000  }
0xc7: {  	[hbm4b:s1+s31] =	stream.linear.scatter @!p1 [tilespmem:s31], [sflag:$0x5], $0x6000, $0x38;
	[tilespmem:$0x18000] =	vst v63  }
0xc8: {  	_ =	swait.ge @!p1 [sflag:s29], $0x6000  }
.LBB2_2:
0xc9: {  	[sflag:s29] =	ssyncset.done @!p1 $0x0  }
0xca: {  	[sflag:s29] =	ssyncadd.s32 @!p1 $0xFFFFA000  }
0xcb: {  	_ =	sfence.sel $0x180000  }
0xcc: {  	[bflag:$0x0] =	sbarrier.arrive $0xFFFF  }
0xcd: {  	_ =	strace $0x90000047  }
0xce: {  	s0 =	stileid.u32;
	[bflag:$0x2] =	sbarrier.arrive $0xFFFF  }
0xcf: {  	p0 =	sne.s32 s0, $0x0;
	s0 =	rddreg [dreg:$0x2]  }
0xd0: {  	s0 =	sadd.s32 @!p0 $0x100000, s0  }
0xd1: {  	[sflag:s0] =	ssyncadd.tile.s32 @!p0 $0x1;
	_ =	shalt  }
.Lfunc_end2:
_tile_overlayer_lowered:
.L_overlay_start_2:
0xd2: {  	(tag) =	ssettag $0x2  }
0xd3: {  	s0 =	rddreg [dreg:$0x0];
	s2 =	stileid.u32  }
0xd4: {  	s1 =	rddreg [dreg:$0x1];
	p0 =	sne.s32 s2, $0x0  }
0xd5: {  	s3 =	rddreg [dreg:$0x2];
	[bflag:$0x3] =	sbarrier.arrive $0xFFFF;
	s2 =	simm.s32 @!p0 $0x1C05  }
0xd6: {  	[timem:s3], [sflag:s2] =	dma.local @!p0 [hbm:s0], s1  }
0xd7: {  	s0 =	simm.s32 @!p0 $0x5  }
0xd8: {  	_ =	swait.ge @!p0 [sflag:s0], s1  }
0xd9: {  	s1 =	ssub.s32 @!p0 $0x0, s1;
	[sflag:s0] =	ssyncset.done @!p0 $0x0  }
0xda: {  	[sflag:s0] =	ssyncadd.s32 @!p0 s1  }
0xdb: {  	[bflag:$0x3] =	sbarrier.arrive $0xFFFF  }
0xdc: {  	_ =	shalt  }

// kernel: kernel.8.cloned.1.call-start
scs
__scs_entry_jumppad:
0x0: {  	(pc) =	sbr.rel $0x88, $3  }
0x1: {  	(tag) =	ssettag $0x0;
	lr =	simm.s32 $0x1  }
0x2: {  	[smem:$0x3F8C] =	sst lr;
	_ =	strace $0xD0000000  }
0x3: {  	_ = 	snop  }
0x4: {  	_ = 	snop  }
0x5: {  	_ = 	snop  }
0x6: {  	_ = 	snop  }
0x7: {  	_ = 	snop  }
__scs_overlays_trampoline_lowered:
0x8: {  	[smem:$0x3F9B] =	sst s0  }
0x9: {  	[smem:$0x3F9C] =	sst s1  }
0xa: {  	[smem:$0x3F9D] =	sst s2  }
0xb: {  	[smem:$0x3F9E] =	sst s3  }
0xc: {  	[smem:$0x3F9F] =	sst s4  }
0xd: {  	[smem:$0x3FA0] =	sst s5  }
0xe: {  	[smem:$0x3FA1] =	sst s6  }
0xf: {  	[smem:$0x3FA2] =	sst s7  }
0x10: {  	[smem:$0x3FA3] =	sst s8  }
0x11: {  	[smem:$0x3FA4] =	sst s9;
	s0 =	simm.s32 @!p0 $0x0  }
0x12: {  	s1 =	sld [smem:$0x3F8A];
	s0 =	simm.s32 @p0 $0x1  }
0x13: {  	[smem:$0x3FA5] =	sst s0;
	s0 =	simm.s32 @!p1 $0x0  }
0x14: {  	s2 =	sld [smem:$0x3F89];
	s0 =	simm.s32 @p1 $0x1  }
0x15: {  	[smem:$0x3FA6] =	sst s0;
	s0 =	simm.s32 @!p2 $0x0  }
0x16: {  	s3 =	sld [smem:$0x3FDB];
	s0 =	simm.s32 @p2 $0x1  }
0x17: {  	s4 =	simm.s32 $0x1BF5;
	[smem:$0x3FA8] =	sst s0  }
0x18: {  	s0 =	sld [smem:$0x3F8B];
	_ =	swait.ge [sflag:s4], $0x0  }
0x19: {  	s7 =	sld [smem:$0x3F8C]  }
0x1a: {  	s8 =	sadd.s32 $0xFFFFE003, lr  }
0x1b: {  	s9 =	sadd.s32 $0xFFFFFEF7, lr;
	s5 =	simm.s32 $0xFFFFFFFF;
	p2 =	slt.u32 s8, $0xFFFFF086  }
0x1c: {  	p1 =	slt.u32 s9, $0xF7A;
	s5 =	simm.s32 @!p2 $0x0  }
0x1d: {  	s5 =	simm.s32 @p1 $0x1;
	p0 =	seq.s32 s7, s2  }
0x1e: {  	s7 =	smul.u32 @!p0 $0xF7A, s2;
	p2 =	seq.s32 @!p0 s5, $0x0  }
0x1f: {  	s9 =	smul.u32 $0xF7A, s1;
	s8 =	simm.s32 @!p0 $0x1BF5;
	p2 =	por !p2, p0  }
0x20: {  	[sflag:s8] =	ssyncset.s32 @!p0 $0xFFFFF086;
	s6 =	sadd.s32 @!p0 s3, s7;
	s7 =	simm.s32 @!p0 $0x108  }
0x21: {  	s3 =	sadd.s32 s3, s9;
	s6 =	sadd.s32 @!p0 $0x88, s6;
	s7 =	simm.s32 @p2 $0x1082  }
0x22: {  	[simem:s7], [sflag:s8] =	dma.local @!p0 [hbm:s6], $0xF7A  }
0x23: {  	s9 =	sor.u32 $0xD0000000, s2;
	s6 =	simm.s32 $0x108;
	_ =	swait.ge @!p0 [sflag:s8], $0x0  }
0x24: {  	s3 =	sadd.s32 $0x88, s3;
	s6 =	simm.s32 @!p1 $0x1082;
	[sflag:s4] =	ssyncset.s32 $0xFFFFF086  }
0x25: {  	[simem:s6], [sflag:s4] =	dma.local [hbm:s3], $0xF7A  }
0x26: {  	[smem:$0x3F8C] =	sst s1;
	(tag) =	ssettag s2;
	_ =	strace s9  }
0x27: {  	s1 =	sld [smem:$0x3F9C]  }
0x28: {  	s2 =	sld [smem:$0x3F9D]  }
0x29: {  	s4 =	sld [smem:$0x3F9F]  }
0x2a: {  	p0 =	seq.s32 s5, $0x0;
	s5 =	sld [smem:$0x3FA0]  }
0x2b: {  	s6 =	sld [smem:$0x3FA1]  }
0x2c: {  	s7 =	sld [smem:$0x3FA2]  }
0x2d: {  	s3 =	simm.s32 $0x108;
	s8 =	sld [smem:$0x3FA3]  }
0x2e: {  	s3 =	simm.s32 @!p0 $0x1082;
	s9 =	sld [smem:$0x3FA4]  }
0x2f: {  	lr =	sadd.s32 s0, s3;
	s0 =	sld [smem:$0x3F9B]  }
0x30: {  	s3 =	sld [smem:$0x3F9E]  }
0x31: {  	[smem:$0x3FA7] =	sst s10  }
0x32: {  	s10 =	sld [smem:$0x3FA5];
	_ =	sdelay $0x3  }
0x33: {  	p0 =	seq.s32 s10, $0x1;
	s10 =	sld [smem:$0x3FA7];
	_ =	sdelay $0x3  }
0x34: {  	[smem:$0x3FA7] =	sst s10  }
0x35: {  	s10 =	sld [smem:$0x3FA6];
	_ =	sdelay $0x3  }
0x36: {  	p1 =	seq.s32 s10, $0x1;
	s10 =	sld [smem:$0x3FA7];
	_ =	sdelay $0x3  }
0x37: {  	[smem:$0x3FA7] =	sst s10  }
0x38: {  	s10 =	sld [smem:$0x3FA8]  }
0x39: {  	_ = 	snop;
	(pc) =	sbr.ind lr, $3  }
0x3a: {  	_ = 	snop  }
0x3b: {  	_ = 	snop  }
0x3c: {  	p2 =	seq.s32 s10, $0x1;
	s10 =	sld [smem:$0x3FA7]  }
0x3d: {  	_ =	shalt  }
0x3e: {  	_ =	shalt  }
0x3f: {  	_ =	shalt  }
0x40: {  	_ =	shalt  }
0x41: {  	_ =	shalt  }
0x42: {  	_ =	shalt  }
0x43: {  	_ =	shalt  }
0x44: {  	_ =	shalt  }
0x45: {  	_ =	shalt  }
0x46: {  	_ =	shalt  }
0x47: {  	_ =	shalt  }
0x48: {  	_ =	shalt  }
0x49: {  	_ =	shalt  }
0x4a: {  	_ =	shalt  }
0x4b: {  	_ =	shalt  }
0x4c: {  	_ =	shalt  }
0x4d: {  	_ =	shalt  }
0x4e: {  	_ =	shalt  }
0x4f: {  	_ =	shalt  }
0x50: {  	_ =	shalt  }
0x51: {  	_ =	shalt  }
0x52: {  	_ =	shalt  }
0x53: {  	_ =	shalt  }
0x54: {  	_ =	shalt  }
0x55: {  	_ =	shalt  }
0x56: {  	_ =	shalt  }
0x57: {  	_ =	shalt  }
0x58: {  	_ =	shalt  }
0x59: {  	_ =	shalt  }
0x5a: {  	_ =	shalt  }
0x5b: {  	_ =	shalt  }
0x5c: {  	_ =	shalt  }
0x5d: {  	_ =	shalt  }
0x5e: {  	_ =	shalt  }
0x5f: {  	_ =	shalt  }
0x60: {  	_ =	shalt  }
0x61: {  	_ =	shalt  }
0x62: {  	_ =	shalt  }
0x63: {  	_ =	shalt  }
0x64: {  	_ =	shalt  }
0x65: {  	_ =	shalt  }
0x66: {  	_ =	shalt  }
0x67: {  	_ =	shalt  }
0x68: {  	_ =	shalt  }
0x69: {  	_ =	shalt  }
0x6a: {  	_ =	shalt  }
0x6b: {  	_ =	shalt  }
0x6c: {  	_ =	shalt  }
0x6d: {  	_ =	shalt  }
0x6e: {  	_ =	shalt  }
0x6f: {  	_ =	shalt  }
0x70: {  	_ =	shalt  }
0x71: {  	_ =	shalt  }
0x72: {  	_ =	shalt  }
0x73: {  	_ =	shalt  }
0x74: {  	_ =	shalt  }
0x75: {  	_ =	shalt  }
0x76: {  	_ =	shalt  }
0x77: {  	_ =	shalt  }
0x78: {  	_ =	shalt  }
0x79: {  	_ =	shalt  }
0x7a: {  	_ =	shalt  }
0x7b: {  	_ =	shalt  }
0x7c: {  	_ =	shalt  }
0x7d: {  	_ =	shalt  }
0x7e: {  	_ =	shalt  }
0x7f: {  	_ =	shalt  }
0x80: {  	_ =	shalt  }
0x81: {  	_ =	shalt  }
0x82: {  	_ =	shalt  }
0x83: {  	_ =	shalt  }
0x84: {  	_ =	shalt  }
0x85: {  	_ =	shalt  }
0x86: {  	_ =	shalt  }
0x87: {  	_ =	shalt  }
.Lfunc_end0:
.L_simem_size_0:
called_computation.1_lowered:
.L_overlay_start_0:
0x88: {  	s2 =	sld [smem:$0x3FD9]  }
0x89: {  	s3 =	sld [smem:$0x3FFE];
	_ =	sdelay $0x1  }
0x8a: {  	s1 =	srdreg.scid  }
0x8b: {  	s0 =	sand.u32 $0x1, s1  }
0x8c: {  	s14 =	sshll.u32 s0, $0xA;
	s2 =	sadd.s32 s3, s2  }
0x8d: {  	s2 =	sadd.s32 s2, s14  }
0x8e: {  	[smem:$0x3FB3] =	sst s2  }
0x8f: {  	_ = 	snop  }
0x90: {  	s2 =	sld [smem:$0x3FD0];
	_ =	sdelay $0x2  }
0x91: {  	s4 =	simm.s32 $0xA;
	s5 =	simm.s32 $0x10;
	s15 =	sld [smem:$0x3FC3]  }
0x92: {  	[smem:s5], [sflag:s4] =	dma.local [hbm:s2], $0x1  }
0x93: {  	_ =	swait.eq [sflag:s4], $0x1  }
0x94: {  	[sflag:s4] =	ssyncset.done $0x0  }
0x95: {  	[sflag:s4] =	ssyncadd.s32 $0xFFFFFFFF  }
0x96: {  	s16 =	sld [smem:$0x10];
	(tm) =	ssettm $0x1  }
0x97: {  	s17 =	sld [smem:$0x3FFB];
	_ =	sdelay $0x3  }
0x98: {  	_ =	strace s17  }
0x99: {  	s4 =	sld [smem:$0x3FFC];
	_ =	sdelay $0x3  }
0x9a: {  	_ =	strace s4  }
0x9b: {  	s4 =	sld [smem:$0x3FFD];
	_ =	sdelay $0x3  }
0x9c: {  	_ =	strace s4  }
0x9d: {  	_ =	strace $0x8FFFFFFF  }
0x9e: {  	s18 =	sld [smem:$0x3FDB];
	_ =	sdelay $0x1  }
0x9f: {  	s19 =	simm.s32 $_scs_section_size  }
0xa0: {  	s6 =	simm.s32 $_size__tile_overlayer_lowered;
	s7 =	simm.s32 $_tile_overlayer_lowered  }
0xa1: {  	s22 =	simm.s32 $0x1BFF;
	s21 =	sshll.u32 s7, $0x1;
	s4 =	sadd.s32 s19, s18  }
0xa2: {  	s8 =	simm.s32 $0x0;
	s20 =	sshll.u32 s6, $0x1;
	s6 =	sadd.s32 s21, s4  }
0xa3: {  	[timem:s8], [sflag:s22] =	dma.local [hbm:s6], s20  }
0xa4: {  	_ =	swait.ge [sflag:s22], s20  }
0xa5: {  	s5 =	ssub.s32 $0x0, s20;
	[sflag:s22] =	ssyncset.done $0x0  }
0xa6: {  	[sflag:s22] =	ssyncadd.s32 s5;
	_ =	sdelay $0x1  }
0xa7: {  	s23 =	simm.s32 $0x1B8B  }
0xa8: {  	_ =	swait.ge [sflag:s23], $0x1  }
0xa9: {  	[sflag:s23] =	ssyncset.done $0x0  }
0xaa: {  	s25 =	simm.s32 $0x1B8E;
	s24 =	sld [smem:$0x3FFE];
	[sflag:s23] =	ssyncadd.s32 $0xFFFFFFFF  }
0xab: {  	s26 =	simm.s32 $execute0_lowered;
	[smem:$0x3FD2] =	sst s25  }
0xac: {  	s6 =	sshll.u32 s26, $0x1;
	_ =	strace $0x80000049;
	[dreg:$0x1] =	wrdreg $0xFFFFFFFF  }
0xad: {  	s28 =	simm.s32 $_size_execute0_lowered;
	s4 =	sadd.s32 s4, s6;
	[dreg:$0x0] =	wrdreg $0x0  }
0xae: {  	s6 =	sshll.u32 s28, $0x1;
	[dreg:$0x2] =	wrdreg s4  }
0xaf: {  	[dreg:$0x3] =	wrdreg s6  }
0xb0: {  	[dreg:$0x4] =	wrdreg $0xC0  }
0xb1: {  	_ =	task [dreg:s8], $0x5FFFF  }
0xb2: {  	[dreg:$0x1] =	wrdreg $0xFFFFFFFF  }
0xb3: {  	[dreg:$0x0] =	wrdreg $0x60  }
0xb4: {  	[dreg:$0x2] =	wrdreg s24  }
0xb5: {  	[dreg:$0x3] =	wrdreg s15  }
0xb6: {  	[dreg:$0x4] =	wrdreg s16  }
0xb7: {  	[dreg:$0x5] =	wrdreg $0x19800  }
0xb8: {  	[dreg:$0x6] =	wrdreg $0x9  }
0xb9: {  	_ =	task.clear_ibuf [dreg:s8], $0x7FFFF;
	_ =	strace $0x90000049  }
0xba: {  	s29 =	simm.s32 $0x9;
	_ =	strace $0x8000004B  }
0xbb: {  	_ =	swait.ge [sflag:s29], $0x1  }
0xbc: {  	[sflag:s29] =	ssyncadd.s32 $0xFFFFFFFF  }
0xbd: {  	_ =	strace $0x9000004B  }
0xbe: {  	_ =	sfence  }
0xbf: {  	s30 =	sld [smem:$0x0];
	_ =	sdelay $0x2  }
0xc0: {  	s31 =	sshll.u32 s1, $0xD;
	s1 =	sshrl.u32 s1, $0x2  }
0xc1: {  	s3 =	sand.u32 $0x4000, s31;
	s1 =	sadd.s32 s1, s30  }
0xc2: {  	s0 =	sor.u32 s3, s0;
	s1 =	sshll.u32 s1, $0x11  }
0xc3: {  	s0 =	sor.u32 s1, s0  }
0xc4: {  	s0 =	sadd.s32 $0x8F2B, s0  }
0xc5: {  	[sflag:s0] =	ssyncadd.remote.s32 $0x1  }
0xc6: {  	_ =	sfence.sel $0xFFFF  }
0xc7: {  	[dreg:$0x0] =	wrdreg $0xFFFFFFFF;
	(pc) =	sbr.abs _section_cstart, $3  }
0xc8: {  	[dreg:$0x1] =	wrdreg $0xFFFFFFFF  }
0xc9: {  	_ =	task.clear_ibuf [dreg:s8], $0x2FFFF;
	_ =	strace $0x9FFFFFFF  }
0xca: {  	(tm) =	ssettm $0x7FFFFFFF  }
0xcb: {  	_ =	shalt  }
tec
execute0_lowered:
.L_overlay_start_1:
0x0: {  	(tag) =	ssettag $0x1  }
0x1: {  	s6 =	rddreg [dreg:$0x0]  }
0x2: {  	s1 =	rddreg [dreg:$0x1]  }
0x3: {  	s2 =	rddreg [dreg:$0x2]  }
0x4: {  	s3 =	rddreg [dreg:$0x3]  }
0x5: {  	s0 =	rddreg [dreg:$0x4];
	s4 =	simm.s32 $0x0  }
0x6: {  	s5 =	srdreg.scid;
	s9 =	stileid.u32;
	s11 =	simm.s32 $0x1900  }
0x7: {  	s12 =	simm.s32 $0x0;
	[smem:$0x7FF] =	sst s4;
	s7 =	sand.u32 $0x1, s5  }
0x8: {  	s5 =	sadd.s32 $0x3400, s6;
	s6 =	sadd.s32 $0x3000, s6;
	s8 =	ssub.s32 $0x2, s7  }
0x9: {  	s31 =	sshll.u32 s9, $0x1;
	p0 =	sne.s32 s9, $0x0;
	s10 =	sshrl.u32 s8, $0x1  }
0xa: {  	_ =	strace $0x8000004A;
	s7 =	sor.u32 s7, s31;
	s8 =	ssub.s32 s8, s10  }
0xb: {  	s9 =	sshrl.u32 @!p0 s3, $0x3;
	s10 =	simm.s32 $0x1;
	s8 =	smax.u32 s8, $0x1  }
.LBB2_1:
0xc: {  	s13 =	simm.s32 @!p0 $0x1C01  }
0xd: {  	[spmem:s9], [sflag:s13] =	dma.local @!p0 [hbm:s5], $0x3000  }
0xe: {  	s13 =	simm.s32 @!p0 $0x1  }
0xf: {  	_ =	swait.ge @!p0 [sflag:s13], $0x3000  }
0x10: {  	[sflag:s13] =	ssyncset.done @!p0 $0x0  }
0x11: {  	s30 =	simm.s32 $0x1800;
	[sflag:s13] =	ssyncadd.s32 @!p0 $0xFFFFD000  }
0x12: {  	[tilespmem:s30], [sflag:$0x1] =	stream.linear.gather [hbm4b:s1+s4], $0x80, $0x38;
	[tilespmem:$0x3180] =	vst v63  }
0x13: {  	_ =	swait.ge [sflag:s10], $0x80  }
0x14: {  	[sflag:s10] =	ssyncset.done $0x0  }
0x15: {  	[sflag:s10] =	ssyncadd.s32 $0xFFFFFF80  }
0x16: {  	[tilespmem:s11], [sflag:$0x1] =	stream.linear.gather [hbm4b:s6+s4], $0x80, $0x38;
	[tilespmem:$0x3180] =	vst v63  }
0x17: {  	_ =	swait.ge [sflag:s10], $0x80  }
0x18: {  	[sflag:s10] =	ssyncset.done $0x0  }
0x19: {  	[sflag:s10] =	ssyncadd.s32 $0xFFFFFF80  }
0x1a: {  	v0 =	vld [tilespmem:$0x1900];
	_ =	sdelay $0x4  }
0x1b: {  	(v2sf) =	vpush v0, $0x0;
	_ =	sdelay $0xe  }
0x1c: {  	s14 =	spop (v2sf)  }
0x1d: {  	[dreg:$0x5] =	wrdreg s14  }
0x1e: {  	[bflag:$0x0] =	sbarrier.arrive $0xFFFF  }
0x1f: {  	v63 =	vld [tilespmem:s30+$0x0];
	_ =	sdelay $0x4  }
0x20: {  	(v2sf) =	vpush v63, $0x0;
	_ =	sdelay $0xe  }
0x21: {  	s14 =	spop (v2sf)  }
0x22: {  	s31 =	rddreg [dreg:$0x5];
	s15 =	sshrl.u32 s14, $0x3  }
0x23: {  	p1 =	sle.s32 s31, $0x0;
	s16 =	sand.u32 $0x1F, s15  }
0x24: {  	p2 =	sne.s32 @!p1 s16, s7  }
0x25: {  	p1 =	por p2, p1  }
0x26: {  	s13 =	smul.u32 @!p1 $0x300, s15  }
0x27: {  	s15 =	simm.s32 @!p1 $0x0;
	s17 =	simm.s32 @!p1 $0x0  }
0x28: {  	s16 =	simm.s32 @!p1 $0x2;
	s15 =	smul.u32 @!p1 $0x6000, s15;
	s13 =	sadd.s32 @!p1 s2, s13  }
0x29: {  	[tilespmem:s17], [sflag:$0x2] =	stream.linear.gather @!p1 [hbm4b:s13+s17], $0x1800, $0x38;
	[tilespmem:$0x3180] =	vst v63  }
0x2a: {  	s14 =	sshll.u32 @!p1 s14, $0x7;
	s15 =	sshra.s32 @!p1 s15, $0x2;
	_ =	swait.ge @!p1 [sflag:s16], $0x1800  }
0x2b: {  	s18 =	sand.u32 @!p1 $0x380, s4;
	s15 =	sadd.s32 @!p1 s15, s3;
	[sflag:s16] =	ssyncset.done @!p1 $0x0  }
0x2c: {  	s14 =	sand.u32 @!p1 $0x380, s14;
	s15 =	sadd.s32 @!p1 s18, s15;
	[sflag:s16] =	ssyncadd.s32 @!p1 $0xFFFFE800  }
0x2d: {  	[tilespmem:s14], [sflag:$0x2] =	stream.linear.gather @!p1 [spmem:s15], $0x80, $0x38;
	[tilespmem:$0x3180] =	vst v63  }
0x2e: {  	s18 =	sor.u32 @!p1 $0x400, s14;
	s19 =	sadd.s32 @!p1 $0x400, s15  }
0x2f: {  	[tilespmem:s18], [sflag:$0x2] =	stream.linear.gather @!p1 [spmem:s19], $0x80, $0x38;
	[tilespmem:$0x3180] =	vst v63  }
0x30: {  	s18 =	sor.u32 @!p1 $0x800, s14;
	s19 =	sadd.s32 @!p1 $0x800, s15  }
0x31: {  	[tilespmem:s18], [sflag:$0x2] =	stream.linear.gather @!p1 [spmem:s19], $0x80, $0x38;
	[tilespmem:$0x3180] =	vst v63  }
0x32: {  	s18 =	sadd.s32 @!p1 $0xC00, s15;
	s19 =	sor.u32 @!p1 $0xC00, s14  }
0x33: {  	[tilespmem:s19], [sflag:$0x2] =	stream.linear.gather @!p1 [spmem:s18], $0x80, $0x38;
	[tilespmem:$0x3180] =	vst v63  }
0x34: {  	s18 =	sadd.s32 @!p1 $0x1000, s15;
	s19 =	sor.u32 @!p1 $0x1000, s14  }
0x35: {  	[tilespmem:s19], [sflag:$0x2] =	stream.linear.gather @!p1 [spmem:s18], $0x80, $0x38;
	[tilespmem:$0x3180] =	vst v63  }
0x36: {  	s15 =	sadd.s32 @!p1 $0x1400, s15;
	s14 =	sor.u32 @!p1 $0x1400, s14  }
0x37: {  	[tilespmem:s14], [sflag:$0x2] =	stream.linear.gather @!p1 [spmem:s15], $0x80, $0x38;
	[tilespmem:$0x3180] =	vst v63  }
0x38: {  	_ =	swait.ge @!p1 [sflag:s16], $0x300  }
0x39: {  	[sflag:s16] =	ssyncset.done @!p1 $0x0  }
0x3a: {  	[sflag:s16] =	ssyncadd.s32 @!p1 $0xFFFFFD00;
	s16 =	simm.s32 @!p1 $0x1  }
0x3b: {  	[hbm4b:s13+s17] =	stream.linear.scatter @!p1 [tilespmem:s17], [sflag:$0x1], $0x1800, $0x38;
	[tilespmem:$0x3180] =	vst v63  }
0x3c: {  	s14 =	simm.s32 $0x1801;
	_ =	swait.ge @!p1 [sflag:s16], $0x1800  }
0x3d: {  	s15 =	simm.s32 $0x0;
	s13 =	simm.s32 $0x1;
	[sflag:s16] =	ssyncset.done @!p1 $0x0  }
.LBB2_2:
0x3e: {  	[sflag:s16] =	ssyncadd.s32 @!p1 $0xFFFFE800  }
0x3f: {  	v0 =	vld [tilespmem:s14+$0x0];
	_ =	sdelay $0x4  }
0x40: {  	(v2sf) =	vpush v0, $0x0;
	_ =	sdelay $0xe  }
0x41: {  	s18 =	spop (v2sf)  }
0x42: {  	s16 =	smov.u32 s13;
	s17 =	rddreg [dreg:$0x5];
	s19 =	sshrl.u32 s18, $0x3  }
0x43: {  	p1 =	sge.s32 s16, s17;
	s20 =	sand.u32 $0x1F, s19  }
0x44: {  	p3 =	sne.s32 @!p1 s20, s7  }
0x45: {  	p1 =	por p3, p1  }
0x46: {  	s17 =	smul.u32 @!p1 $0x300, s19  }
0x47: {  	s15 =	sadd.s32 $0x80, s15;
	s16 =	sshrl.u32 @!p1 s16, $0x3;
	s19 =	simm.s32 @!p1 $0x0  }
0x48: {  	s20 =	simm.s32 @!p1 $0x2;
	s16 =	smul.u32 @!p1 $0x6000, s16;
	s17 =	sadd.s32 @!p1 s2, s17  }
0x49: {  	[tilespmem:s19], [sflag:$0x2] =	stream.linear.gather @!p1 [hbm4b:s17+s19], $0x1800, $0x38;
	[tilespmem:$0x3180] =	vst v63  }
0x4a: {  	s18 =	sshll.u32 @!p1 s18, $0x7;
	s16 =	sshra.s32 @!p1 s16, $0x2;
	_ =	swait.ge @!p1 [sflag:s20], $0x1800  }
0x4b: {  	s22 =	sand.u32 @!p1 $0x380, s15;
	s16 =	sadd.s32 @!p1 s16, s3;
	[sflag:s20] =	ssyncset.done @!p1 $0x0  }
0x4c: {  	s18 =	sand.u32 @!p1 $0x380, s18;
	s16 =	sadd.s32 @!p1 s22, s16;
	[sflag:s20] =	ssyncadd.s32 @!p1 $0xFFFFE800  }
0x4d: {  	[tilespmem:s18], [sflag:$0x2] =	stream.linear.gather @!p1 [spmem:s16], $0x80, $0x38;
	[tilespmem:$0x3180] =	vst v63  }
0x4e: {  	s21 =	sor.u32 @!p1 $0x400, s18;
	s23 =	sadd.s32 @!p1 $0x400, s16  }
0x4f: {  	[tilespmem:s21], [sflag:$0x2] =	stream.linear.gather @!p1 [spmem:s23], $0x80, $0x38;
	[tilespmem:$0x3180] =	vst v63  }
0x50: {  	s22 =	sor.u32 @!p1 $0x800, s18;
	s24 =	sadd.s32 @!p1 $0x800, s16  }
0x51: {  	[tilespmem:s22], [sflag:$0x2] =	stream.linear.gather @!p1 [spmem:s24], $0x80, $0x38;
	[tilespmem:$0x3180] =	vst v63  }
0x52: {  	s25 =	sadd.s32 @!p1 $0xC00, s16;
	s21 =	sor.u32 @!p1 $0xC00, s18  }
0x53: {  	[tilespmem:s21], [sflag:$0x2] =	stream.linear.gather @!p1 [spmem:s25], $0x80, $0x38;
	[tilespmem:$0x3180] =	vst v63  }
0x54: {  	s23 =	sadd.s32 @!p1 $0x1000, s16;
	s22 =	sor.u32 @!p1 $0x1000, s18  }
0x55: {  	[tilespmem:s22], [sflag:$0x2] =	stream.linear.gather @!p1 [spmem:s23], $0x80, $0x38;
	[tilespmem:$0x3180] =	vst v63  }
0x56: {  	s13 =	sadd.s32 $0x1, s13;
	s16 =	sadd.s32 @!p1 $0x1400, s16;
	s18 =	sor.u32 @!p1 $0x1400, s18  }
0x57: {  	[tilespmem:s18], [sflag:$0x2] =	stream.linear.gather @!p1 [spmem:s16], $0x80, $0x38;
	[tilespmem:$0x3180] =	vst v63  }
0x58: {  	p2 =	sne.s32 s13, $0x80;
	_ =	swait.ge @!p1 [sflag:s20], $0x300  }
.Ltmp0:
0x59: {  	[sflag:s20] =	ssyncset.done @!p1 $0x0;
	(pc) =	sbr.rel @p2 .LBB2_2-.Ltmp0, $4  }
0x5a: {  	s16 =	simm.s32 @!p1 $0x1;
	[sflag:s20] =	ssyncadd.s32 @!p1 $0xFFFFFD00  }
0x5b: {  	[hbm4b:s17+s19] =	stream.linear.scatter @!p1 [tilespmem:s19], [sflag:$0x1], $0x1800, $0x38;
	[tilespmem:$0x3180] =	vst v63  }
0x5c: {  	_ =	swait.ge @!p1 [sflag:s16], $0x1800  }
0x5d: {  	s14 =	sadd.s32 $0x1, s14;
	[sflag:s16] =	ssyncset.done @!p1 $0x0  }
0x5e: {  	s12 =	sadd.s32 $0x1, s12  }
0x5f: {  	p2 =	sne.s32 s12, s8  }
.Ltmp1:
0x60: {  	_ = 	snop;
	(pc) =	sbr.rel @p2 .LBB2_1-.Ltmp1, $2  }
0x61: {  	_ =	sdelay $0x2  }
0x62: {  	[sflag:s16] =	ssyncadd.s32 @!p1 $0xFFFFE800  }
0x63: {  	_ =	sfence.sel $0x180000  }
0x64: {  	[bflag:$0x0] =	sbarrier.arrive $0xFFFF  }
0x65: {  	_ =	strace $0x9000004A  }
0x66: {  	s0 =	sadd.s32 @!p0 $0x100000, s0;
	[bflag:$0x2] =	sbarrier.arrive $0xFFFF  }
0x67: {  	[sflag:s0] =	ssyncadd.tile.s32 @!p0 $0x1;
	_ =	shalt  }
.Lfunc_end2:
_tile_overlayer_lowered:
.L_overlay_start_2:
0x68: {  	(tag) =	ssettag $0x2  }
0x69: {  	s0 =	rddreg [dreg:$0x0];
	s2 =	stileid.u32  }
0x6a: {  	s1 =	rddreg [dreg:$0x1];
	p0 =	sne.s32 s2, $0x0  }
0x6b: {  	s3 =	rddreg [dreg:$0x2];
	[bflag:$0x3] =	sbarrier.arrive $0xFFFF;
	s2 =	simm.s32 @!p0 $0x1C01  }
0x6c: {  	[timem:s3], [sflag:s2] =	dma.local @!p0 [hbm:s0], s1  }
0x6d: {  	s0 =	simm.s32 @!p0 $0x1  }
0x6e: {  	_ =	swait.ge @!p0 [sflag:s0], s1  }
0x6f: {  	s1 =	ssub.s32 @!p0 $0x0, s1;
	[sflag:s0] =	ssyncset.done @!p0 $0x0  }
0x70: {  	[sflag:s0] =	ssyncadd.s32 @!p0 s1  }
0x71: {  	[bflag:$0x3] =	sbarrier.arrive $0xFFFF  }
0x72: {  	_ =	shalt  }

</sc_bundles>
